<compile_context>
chip_gen: v7x
topology: tpu7x:2x2x1
jax: 0.10.2.dev20260603
libtpu: 0.0.44.dev20260713+nightly
codegen_flags: <defaults>
</compile_context>

<pallas_src>
import functools

import jax
import jax.numpy as jnp
from jax import lax
from jax.experimental import pallas as pl
from jax.experimental.pallas import tpu as pltpu
from jax.experimental.pallas import tpu_sc as plsc

_L = 16
_TPAD = 129


def _make_emb_kernel(NW, NC, n_groups_per_w, D, NB):
    mesh = plsc.VectorSubcoreMesh(core_axis_name="c", subcore_axis_name="s")
    CH = 128
    DB = D // 8

    @functools.partial(
        pl.kernel,
        mesh=mesh,
        out_type=jax.ShapeDtypeStruct(
            (NW * n_groups_per_w // NB, DB, NB, 8, CH), jnp.float32
        ),
        scratch_types=[
            pltpu.VMEM((n_groups_per_w, CH), jnp.int32),
            pltpu.VMEM((CH, D), jnp.float32),
            pltpu.VMEM((CH, D), jnp.float32),
            pltpu.VMEM((D, _TPAD), jnp.float32),
            pltpu.VMEM((D, _TPAD), jnp.float32),
            pltpu.SemaphoreType.DMA,
            pltpu.SemaphoreType.DMA,
            pltpu.SemaphoreType.DMA,
            pltpu.SemaphoreType.DMA,
        ],
        compiler_params=pltpu.CompilerParams(
            use_tc_tiling_on_sc=False, needs_layout_passes=False
        ),
    )
    def emb(table_hbm, idx_hbm, out_hbm, idx_v, rowA, rowB, tilA, tilB,
            gsA, gsB, osA, osB):
        wid = lax.axis_index("s") * NC + lax.axis_index("c")
        gbase = wid * n_groups_per_w
        pltpu.sync_copy(idx_hbm.at[wid], idx_v)

        lane = lax.broadcasted_iota(jnp.int32, (_L,), 0)
        zeros = lane - lane
        d_idx = [lane + j * _L for j in range(D // _L)]

        def transpose(row, til):
            @plsc.parallel_loop(0, CH, step=1, unroll=4)
            def _(t):
                t_idx = zeros + t
                for j in range(D // _L):
                    v = row[t, pl.ds(j * _L, _L)]
                    plsc.store_scatter(til, [d_idx[j], t_idx], v)

        def fire_scatters(gl, til, sem):
            g = gbase + gl
            s = g // NB
            bblk = g - s * NB
            for db in range(DB):
                pltpu.make_async_copy(
                    til.at[pl.ds(db * 8, 8), pl.ds(0, CH)],
                    out_hbm.at[s, db, bblk],
                    sem,
                ).start()

        def fire_gather(gl, row, sem):
            pltpu.make_async_copy(
                table_hbm.at[idx_v.at[gl]], row, sem
            ).start()

        def drain_gather(row, sem):
            pltpu.make_async_copy(
                table_hbm.at[idx_v.at[0]], row, sem
            ).wait()

        def drain_scatters(til, sem):
            for db in range(DB):
                pltpu.make_async_copy(
                    til.at[pl.ds(db * 8, 8), pl.ds(0, CH)],
                    out_hbm.at[0, 0, 0],
                    sem,
                ).wait()

        n_pairs = n_groups_per_w // 2

        fire_gather(0, rowA, gsA)
        fire_gather(1, rowB, gsB)

        def pair(p, carry):
            gA = 2 * p

            @pl.when(p > 0)
            def _():
                drain_scatters(tilA, osA)

            drain_gather(rowA, gsA)
            transpose(rowA, tilA)

            @pl.when(p < n_pairs - 1)
            def _():
                fire_gather(gA + 2, rowA, gsA)

            fire_scatters(gA, tilA, osA)

            @pl.when(p > 0)
            def _():
                drain_scatters(tilB, osB)

            drain_gather(rowB, gsB)
            transpose(rowB, tilB)

            @pl.when(p < n_pairs - 1)
            def _():
                fire_gather(gA + 3, rowB, gsB)

            fire_scatters(gA + 1, tilB, osB)
            return carry

        lax.fori_loop(0, n_pairs, pair, 0)
        drain_scatters(tilA, osA)
        drain_scatters(tilB, osB)

    return emb


def kernel(x, table):
    B, S = x.shape
    V, D = table.shape
    info = plsc.get_sparse_core_info()
    NC, NS = info.num_cores, info.num_subcores
    NW = NC * NS
    CH = 128
    NB = B // CH
    n_groups = S * NB
    n_groups_per_w = n_groups // NW
    assert n_groups_per_w * NW == n_groups
    assert n_groups_per_w % 2 == 0

    idx = jnp.transpose(x).reshape(NW, n_groups_per_w, CH).astype(jnp.int32)
    emb = _make_emb_kernel(NW, NC, n_groups_per_w, D, NB)
    out5 = emb(table, idx)
    return jnp.transpose(out5, (2, 4, 0, 1, 3)).reshape(B, S, D)

# --- scband reference (transcript-rebuilt; emitter-appended) ---
"""Pipeline reference for scband-token-embedding-27582279975605 (READ-ONLY COPY).

The authoritative reference and input builder live on the scoring server;
editing this copy changes nothing except your own understanding.
"""

import jax, jax.numpy as jnp
import numpy as np

VOCAB = 1000000
D_MODEL = 64

def setup_inputs(seed: int = 0) -> dict:
    key = jax.random.key(seed)
    k_idx, k_tab = jax.random.split(key)
    x = jax.random.randint(k_idx, (4096, 200), 0, VOCAB, dtype=jnp.int64 if jax.config.jax_enable_x64 else jnp.int32)
    table = jax.random.normal(k_tab, (VOCAB, D_MODEL), dtype=jnp.float32)
    return {"x": x, "table": table}

def reference(x, table):
    # nn.Embedding forward: gather rows of the embedding table
    return jnp.take(table, x, axis=0)

if __name__ == "__main__":
    import jax
    _d = setup_inputs()
    print(jax.jit(kernel)(*tuple(_d.values())))

</pallas_src>

<mosaic_0001>
#map = affine_map<(d0, d1) -> (0, 0)>
#map1 = affine_map<(d0, d1) -> (0, 0, 0)>
#map2 = affine_map<(d0, d1) -> (0, 0, 0, 0, 0)>
module attributes {stable_mosaic.version = 14 : i64} {
  func.func @emb(%arg0: i32, %arg1: i32, %arg2: memref<1000000x64xf32, #tpu.memory_space<hbm>>, %arg3: memref<32x200x128xi32, #tpu.memory_space<hbm>>, %arg4: memref<200x8x32x8x128xf32, #tpu.memory_space<hbm>>, %arg5: memref<200x128xi32, #tpu.memory_space<vmem>>, %arg6: memref<128x64xf32, #tpu.memory_space<vmem>>, %arg7: memref<128x64xf32, #tpu.memory_space<vmem>>, %arg8: memref<64x129xf32, #tpu.memory_space<vmem>>, %arg9: memref<64x129xf32, #tpu.memory_space<vmem>>, %arg10: memref<!tpu.dma_semaphore, #tpu.memory_space<semaphore_mem>>, %arg11: memref<!tpu.dma_semaphore, #tpu.memory_space<semaphore_mem>>, %arg12: memref<!tpu.dma_semaphore, #tpu.memory_space<semaphore_mem>>, %arg13: memref<!tpu.dma_semaphore, #tpu.memory_space<semaphore_mem>>) attributes {dimension_semantics = [#tpu.dimension_semantics<core_parallel>, #tpu.dimension_semantics<subcore_parallel>], iteration_bounds = array<i64: 2, 16>, scalar_prefetch = 0 : i64, scratch_operands = 9 : i64, tpu.core_type = #tpu.core_type<sc_vector_subcore>, window_params = [{transform_indices = #map}, {transform_indices = #map1}, {transform_indices = #map2}]} {
    %mul3A = arith.constant 2 : i32
    %mul3A_0 = arith.muli %arg1, %mul3A : i32
    %add3A = arith.addi %mul3A_0, %arg0 : i32
    %mul3A_1 = arith.constant 200 : i32
    %mul3A_2 = arith.muli %add3A, %mul3A_1 : i32
    "tpu.region"() ({
      %run_scoped3A = tpu.sem_alloc : memref<!tpu.dma_semaphore, #tpu.memory_space<semaphore_mem>>
      %dma_start3A_304 = arith.constant 0 : i32
      %dma_start3A_305 = arith.constant 0 : i32
      %dma_start3A_306 = tpu.memref_slice %arg3[%add3A, %dma_start3A_304, %dma_start3A_305] : memref<32x200x128xi32, #tpu.memory_space<hbm>> -> memref<1x200x128xi32, #tpu.memory_space<hbm>>
      %dma_start3A_307 = tpu.memref_squeeze %dma_start3A_306 : memref<1x200x128xi32, #tpu.memory_space<hbm>> -> memref<200x128xi32, #tpu.memory_space<hbm>>
      %dma_start3A_308 = arith.constant 0 : i32
      %dma_start3A_309 = arith.constant 0 : i32
      %dma_start3A_310 = tpu.memref_slice %arg3[%add3A, %dma_start3A_308, %dma_start3A_309] : memref<32x200x128xi32, #tpu.memory_space<hbm>> -> memref<1x200x128xi32, #tpu.memory_space<hbm>>
      %dma_start3A_311 = tpu.memref_squeeze %dma_start3A_310 : memref<1x200x128xi32, #tpu.memory_space<hbm>> -> memref<200x128xi32, #tpu.memory_space<hbm>>
      tpu.enqueue_dma source(%dma_start3A_311 : memref<200x128xi32, #tpu.memory_space<hbm>>) target(%arg5 : memref<200x128xi32, #tpu.memory_space<vmem>>) target_semaphore(%run_scoped3A : memref<!tpu.dma_semaphore, #tpu.memory_space<semaphore_mem>>)
      %dma_wait3A_312 = arith.constant 0 : i32
      %dma_wait3A_313 = arith.constant 0 : i32
      %dma_wait3A_314 = tpu.memref_slice %arg3[%add3A, %dma_wait3A_312, %dma_wait3A_313] : memref<32x200x128xi32, #tpu.memory_space<hbm>> -> memref<1x200x128xi32, #tpu.memory_space<hbm>>
      %dma_wait3A_315 = tpu.memref_squeeze %dma_wait3A_314 : memref<1x200x128xi32, #tpu.memory_space<hbm>> -> memref<200x128xi32, #tpu.memory_space<hbm>>
      %dma_wait3A_316 = arith.constant 0 : i32
      %dma_wait3A_317 = arith.constant 0 : i32
      %dma_wait3A_318 = tpu.memref_slice %arg3[%add3A, %dma_wait3A_316, %dma_wait3A_317] : memref<32x200x128xi32, #tpu.memory_space<hbm>> -> memref<1x200x128xi32, #tpu.memory_space<hbm>>
      %dma_wait3A_319 = tpu.memref_squeeze %dma_wait3A_318 : memref<1x200x128xi32, #tpu.memory_space<hbm>> -> memref<200x128xi32, #tpu.memory_space<hbm>>
      tpu.wait_dma2 semaphore(%run_scoped3A : memref<!tpu.dma_semaphore, #tpu.memory_space<semaphore_mem>>) src(%dma_wait3A_319 : memref<200x128xi32, #tpu.memory_space<hbm>>) dst(%arg5 : memref<200x128xi32, #tpu.memory_space<vmem>>)
      tpu.yield
    }) : () -> ()
    %iota3A = tpu.iota {dimensions = array<i32: 0>} : vector<16xi32>
    %sub3A = arith.subi %iota3A, %iota3A : vector<16xi32>
    %add3A_3 = arith.constant 0 : i32
    %add3A_4 = vector.broadcast %add3A_3 : i32 to vector<16xi32>
    %add3A_5 = arith.addi %iota3A, %add3A_4 : vector<16xi32>
    %add3A_6 = arith.constant 16 : i32
    %add3A_7 = vector.broadcast %add3A_6 : i32 to vector<16xi32>
    %add3A_8 = arith.addi %iota3A, %add3A_7 : vector<16xi32>
    %add3A_9 = arith.constant 32 : i32
    %add3A_10 = vector.broadcast %add3A_9 : i32 to vector<16xi32>
    %add3A_11 = arith.addi %iota3A, %add3A_10 : vector<16xi32>
    %add3A_12 = arith.constant 48 : i32
    %add3A_13 = vector.broadcast %add3A_12 : i32 to vector<16xi32>
    %add3A_14 = arith.addi %iota3A, %add3A_13 : vector<16xi32>
    %dma_start3A = arith.constant 0 : i32
    %dma_start3A_15 = arith.constant 0 : i32
    %dma_start3A_16 = tpu.memref_slice %arg5[%dma_start3A, %dma_start3A_15] : memref<200x128xi32, #tpu.memory_space<vmem>> -> memref<1x128xi32, #tpu.memory_space<vmem>>
    %dma_start3A_17 = tpu.memref_squeeze %dma_start3A_16 : memref<1x128xi32, #tpu.memory_space<vmem>> -> memref<128xi32, #tpu.memory_space<vmem>>
    %dma_start3A_18 = arith.constant 0 : i32
    %dma_start3A_19 = arith.constant 0 : i32
    %dma_start3A_20 = tpu.memref_slice %arg2[%dma_start3A_18, %dma_start3A_19] : memref<1000000x64xf32, #tpu.memory_space<hbm>> -> memref<1000000x64xf32, #tpu.memory_space<hbm>>
    tpu.enqueue_indirect_dma source(%dma_start3A_20 : memref<1000000x64xf32, #tpu.memory_space<hbm>>) target(%arg6 : memref<128x64xf32, #tpu.memory_space<vmem>>) offsets(%dma_start3A_17 : memref<128xi32, #tpu.memory_space<vmem>>) semaphore(%arg10 : memref<!tpu.dma_semaphore, #tpu.memory_space<semaphore_mem>>)
    %dma_start3A_21 = arith.constant 1 : i32
    %dma_start3A_22 = arith.constant 0 : i32
    %dma_start3A_23 = tpu.memref_slice %arg5[%dma_start3A_21, %dma_start3A_22] : memref<200x128xi32, #tpu.memory_space<vmem>> -> memref<1x128xi32, #tpu.memory_space<vmem>>
    %dma_start3A_24 = tpu.memref_squeeze %dma_start3A_23 : memref<1x128xi32, #tpu.memory_space<vmem>> -> memref<128xi32, #tpu.memory_space<vmem>>
    %dma_start3A_25 = arith.constant 0 : i32
    %dma_start3A_26 = arith.constant 0 : i32
    %dma_start3A_27 = tpu.memref_slice %arg2[%dma_start3A_25, %dma_start3A_26] : memref<1000000x64xf32, #tpu.memory_space<hbm>> -> memref<1000000x64xf32, #tpu.memory_space<hbm>>
    tpu.enqueue_indirect_dma source(%dma_start3A_27 : memref<1000000x64xf32, #tpu.memory_space<hbm>>) target(%arg7 : memref<128x64xf32, #tpu.memory_space<vmem>>) offsets(%dma_start3A_24 : memref<128xi32, #tpu.memory_space<vmem>>) semaphore(%arg11 : memref<!tpu.dma_semaphore, #tpu.memory_space<semaphore_mem>>)
    %scan3A = arith.constant 0 : i32
    %scan3A_28 = arith.constant 0 : i32
    %scan3A_29 = arith.constant 100 : i32
    %scan3A_30 = arith.addi %scan3A_28, %scan3A_29 : i32
    %scan3A_31 = arith.constant 1 : i32
    scf.for %scan3A_304 = %scan3A_28 to %scan3A_30 step %scan3A_31  : i32 {
      %mul3A_305 = arith.constant 2 : i32
      %mul3A_306 = arith.muli %mul3A_305, %scan3A_304 : i32
      %gt3A = arith.constant 0 : i32
      %gt3A_307 = arith.cmpi sgt, %scan3A_304, %gt3A : i32
      %convert_element_type3A = arith.extui %gt3A_307 : i1 to i32
      %cond3A = arith.constant 0 : i32
      %cond3A_308 = arith.cmpi ne, %convert_element_type3A, %cond3A : i32
      scf.if %cond3A_308 {
        %dma_wait3A_633 = arith.constant 0 : i32
        %dma_wait3A_634 = arith.constant 0 : i32
        %dma_wait3A_635 = arith.constant 0 : i32
        %dma_wait3A_636 = arith.constant 0 : i32
        %dma_wait3A_637 = arith.constant 0 : i32
        %dma_wait3A_638 = tpu.memref_slice %arg8[%dma_wait3A_636, %dma_wait3A_637] : memref<64x129xf32, #tpu.memory_space<vmem>> -> memref<8x128xf32, #tpu.memory_space<vmem>>
        %dma_wait3A_639 = arith.constant 0 : i32
        %dma_wait3A_640 = arith.constant 0 : i32
        %dma_wait3A_641 = tpu.memref_slice %arg4[%dma_wait3A_633, %dma_wait3A_634, %dma_wait3A_635, %dma_wait3A_639, %dma_wait3A_640] : memref<200x8x32x8x128xf32, #tpu.memory_space<hbm>> -> memref<1x1x1x8x128xf32, #tpu.memory_space<hbm>>
        %dma_wait3A_642 = tpu.memref_squeeze %dma_wait3A_641 : memref<1x1x1x8x128xf32, #tpu.memory_space<hbm>> -> memref<8x128xf32, #tpu.memory_space<hbm>>
        %dma_wait3A_643 = arith.constant 0 : i32
        %dma_wait3A_644 = arith.constant 0 : i32
        %dma_wait3A_645 = tpu.memref_slice %arg4[%dma_wait3A_633, %dma_wait3A_634, %dma_wait3A_635, %dma_wait3A_643, %dma_wait3A_644] : memref<200x8x32x8x128xf32, #tpu.memory_space<hbm>> -> memref<1x1x1x8x128xf32, #tpu.memory_space<hbm>>
        %dma_wait3A_646 = tpu.memref_squeeze %dma_wait3A_645 : memref<1x1x1x8x128xf32, #tpu.memory_space<hbm>> -> memref<8x128xf32, #tpu.memory_space<hbm>>
        %dma_wait3A_647 = arith.constant 0 : i32
        %dma_wait3A_648 = arith.constant 0 : i32
        %dma_wait3A_649 = tpu.memref_slice %arg8[%dma_wait3A_647, %dma_wait3A_648] : memref<64x129xf32, #tpu.memory_space<vmem>> -> memref<8x128xf32, #tpu.memory_space<vmem>>
        tpu.wait_dma2 semaphore(%arg12 : memref<!tpu.dma_semaphore, #tpu.memory_space<semaphore_mem>>) src(%dma_wait3A_649 : memref<8x128xf32, #tpu.memory_space<vmem>>) dst(%dma_wait3A_646 : memref<8x128xf32, #tpu.memory_space<hbm>>)
        %dma_wait3A_650 = arith.constant 0 : i32
        %dma_wait3A_651 = arith.constant 0 : i32
        %dma_wait3A_652 = arith.constant 0 : i32
        %dma_wait3A_653 = arith.constant 8 : i32
        %dma_wait3A_654 = arith.constant 0 : i32
        %dma_wait3A_655 = tpu.memref_slice %arg8[%dma_wait3A_653, %dma_wait3A_654] : memref<64x129xf32, #tpu.memory_space<vmem>> -> memref<8x128xf32, #tpu.memory_space<vmem>>
        %dma_wait3A_656 = arith.constant 0 : i32
        %dma_wait3A_657 = arith.constant 0 : i32
        %dma_wait3A_658 = tpu.memref_slice %arg4[%dma_wait3A_650, %dma_wait3A_651, %dma_wait3A_652, %dma_wait3A_656, %dma_wait3A_657] : memref<200x8x32x8x128xf32, #tpu.memory_space<hbm>> -> memref<1x1x1x8x128xf32, #tpu.memory_space<hbm>>
        %dma_wait3A_659 = tpu.memref_squeeze %dma_wait3A_658 : memref<1x1x1x8x128xf32, #tpu.memory_space<hbm>> -> memref<8x128xf32, #tpu.memory_space<hbm>>
        %dma_wait3A_660 = arith.constant 0 : i32
        %dma_wait3A_661 = arith.constant 0 : i32
        %dma_wait3A_662 = tpu.memref_slice %arg4[%dma_wait3A_650, %dma_wait3A_651, %dma_wait3A_652, %dma_wait3A_660, %dma_wait3A_661] : memref<200x8x32x8x128xf32, #tpu.memory_space<hbm>> -> memref<1x1x1x8x128xf32, #tpu.memory_space<hbm>>
        %dma_wait3A_663 = tpu.memref_squeeze %dma_wait3A_662 : memref<1x1x1x8x128xf32, #tpu.memory_space<hbm>> -> memref<8x128xf32, #tpu.memory_space<hbm>>
        %dma_wait3A_664 = arith.constant 8 : i32
        %dma_wait3A_665 = arith.constant 0 : i32
        %dma_wait3A_666 = tpu.memref_slice %arg8[%dma_wait3A_664, %dma_wait3A_665] : memref<64x129xf32, #tpu.memory_space<vmem>> -> memref<8x128xf32, #tpu.memory_space<vmem>>
        tpu.wait_dma2 semaphore(%arg12 : memref<!tpu.dma_semaphore, #tpu.memory_space<semaphore_mem>>) src(%dma_wait3A_666 : memref<8x128xf32, #tpu.memory_space<vmem>>) dst(%dma_wait3A_663 : memref<8x128xf32, #tpu.memory_space<hbm>>)
        %dma_wait3A_667 = arith.constant 0 : i32
        %dma_wait3A_668 = arith.constant 0 : i32
        %dma_wait3A_669 = arith.constant 0 : i32
        %dma_wait3A_670 = arith.constant 16 : i32
        %dma_wait3A_671 = arith.constant 0 : i32
        %dma_wait3A_672 = tpu.memref_slice %arg8[%dma_wait3A_670, %dma_wait3A_671] : memref<64x129xf32, #tpu.memory_space<vmem>> -> memref<8x128xf32, #tpu.memory_space<vmem>>
        %dma_wait3A_673 = arith.constant 0 : i32
        %dma_wait3A_674 = arith.constant 0 : i32
        %dma_wait3A_675 = tpu.memref_slice %arg4[%dma_wait3A_667, %dma_wait3A_668, %dma_wait3A_669, %dma_wait3A_673, %dma_wait3A_674] : memref<200x8x32x8x128xf32, #tpu.memory_space<hbm>> -> memref<1x1x1x8x128xf32, #tpu.memory_space<hbm>>
        %dma_wait3A_676 = tpu.memref_squeeze %dma_wait3A_675 : memref<1x1x1x8x128xf32, #tpu.memory_space<hbm>> -> memref<8x128xf32, #tpu.memory_space<hbm>>
        %dma_wait3A_677 = arith.constant 0 : i32
        %dma_wait3A_678 = arith.constant 0 : i32
        %dma_wait3A_679 = tpu.memref_slice %arg4[%dma_wait3A_667, %dma_wait3A_668, %dma_wait3A_669, %dma_wait3A_677, %dma_wait3A_678] : memref<200x8x32x8x128xf32, #tpu.memory_space<hbm>> -> memref<1x1x1x8x128xf32, #tpu.memory_space<hbm>>
        %dma_wait3A_680 = tpu.memref_squeeze %dma_wait3A_679 : memref<1x1x1x8x128xf32, #tpu.memory_space<hbm>> -> memref<8x128xf32, #tpu.memory_space<hbm>>
        %dma_wait3A_681 = arith.constant 16 : i32
        %dma_wait3A_682 = arith.constant 0 : i32
        %dma_wait3A_683 = tpu.memref_slice %arg8[%dma_wait3A_681, %dma_wait3A_682] : memref<64x129xf32, #tpu.memory_space<vmem>> -> memref<8x128xf32, #tpu.memory_space<vmem>>
        tpu.wait_dma2 semaphore(%arg12 : memref<!tpu.dma_semaphore, #tpu.memory_space<semaphore_mem>>) src(%dma_wait3A_683 : memref<8x128xf32, #tpu.memory_space<vmem>>) dst(%dma_wait3A_680 : memref<8x128xf32, #tpu.memory_space<hbm>>)
        %dma_wait3A_684 = arith.constant 0 : i32
        %dma_wait3A_685 = arith.constant 0 : i32
        %dma_wait3A_686 = arith.constant 0 : i32
        %dma_wait3A_687 = arith.constant 24 : i32
        %dma_wait3A_688 = arith.constant 0 : i32
        %dma_wait3A_689 = tpu.memref_slice %arg8[%dma_wait3A_687, %dma_wait3A_688] : memref<64x129xf32, #tpu.memory_space<vmem>> -> memref<8x128xf32, #tpu.memory_space<vmem>>
        %dma_wait3A_690 = arith.constant 0 : i32
        %dma_wait3A_691 = arith.constant 0 : i32
        %dma_wait3A_692 = tpu.memref_slice %arg4[%dma_wait3A_684, %dma_wait3A_685, %dma_wait3A_686, %dma_wait3A_690, %dma_wait3A_691] : memref<200x8x32x8x128xf32, #tpu.memory_space<hbm>> -> memref<1x1x1x8x128xf32, #tpu.memory_space<hbm>>
        %dma_wait3A_693 = tpu.memref_squeeze %dma_wait3A_692 : memref<1x1x1x8x128xf32, #tpu.memory_space<hbm>> -> memref<8x128xf32, #tpu.memory_space<hbm>>
        %dma_wait3A_694 = arith.constant 0 : i32
        %dma_wait3A_695 = arith.constant 0 : i32
        %dma_wait3A_696 = tpu.memref_slice %arg4[%dma_wait3A_684, %dma_wait3A_685, %dma_wait3A_686, %dma_wait3A_694, %dma_wait3A_695] : memref<200x8x32x8x128xf32, #tpu.memory_space<hbm>> -> memref<1x1x1x8x128xf32, #tpu.memory_space<hbm>>
        %dma_wait3A_697 = tpu.memref_squeeze %dma_wait3A_696 : memref<1x1x1x8x128xf32, #tpu.memory_space<hbm>> -> memref<8x128xf32, #tpu.memory_space<hbm>>
        %dma_wait3A_698 = arith.constant 24 : i32
        %dma_wait3A_699 = arith.constant 0 : i32
        %dma_wait3A_700 = tpu.memref_slice %arg8[%dma_wait3A_698, %dma_wait3A_699] : memref<64x129xf32, #tpu.memory_space<vmem>> -> memref<8x128xf32, #tpu.memory_space<vmem>>
        tpu.wait_dma2 semaphore(%arg12 : memref<!tpu.dma_semaphore, #tpu.memory_space<semaphore_mem>>) src(%dma_wait3A_700 : memref<8x128xf32, #tpu.memory_space<vmem>>) dst(%dma_wait3A_697 : memref<8x128xf32, #tpu.memory_space<hbm>>)
        %dma_wait3A_701 = arith.constant 0 : i32
        %dma_wait3A_702 = arith.constant 0 : i32
        %dma_wait3A_703 = arith.constant 0 : i32
        %dma_wait3A_704 = arith.constant 32 : i32
        %dma_wait3A_705 = arith.constant 0 : i32
        %dma_wait3A_706 = tpu.memref_slice %arg8[%dma_wait3A_704, %dma_wait3A_705] : memref<64x129xf32, #tpu.memory_space<vmem>> -> memref<8x128xf32, #tpu.memory_space<vmem>>
        %dma_wait3A_707 = arith.constant 0 : i32
        %dma_wait3A_708 = arith.constant 0 : i32
        %dma_wait3A_709 = tpu.memref_slice %arg4[%dma_wait3A_701, %dma_wait3A_702, %dma_wait3A_703, %dma_wait3A_707, %dma_wait3A_708] : memref<200x8x32x8x128xf32, #tpu.memory_space<hbm>> -> memref<1x1x1x8x128xf32, #tpu.memory_space<hbm>>
        %dma_wait3A_710 = tpu.memref_squeeze %dma_wait3A_709 : memref<1x1x1x8x128xf32, #tpu.memory_space<hbm>> -> memref<8x128xf32, #tpu.memory_space<hbm>>
        %dma_wait3A_711 = arith.constant 0 : i32
        %dma_wait3A_712 = arith.constant 0 : i32
        %dma_wait3A_713 = tpu.memref_slice %arg4[%dma_wait3A_701, %dma_wait3A_702, %dma_wait3A_703, %dma_wait3A_711, %dma_wait3A_712] : memref<200x8x32x8x128xf32, #tpu.memory_space<hbm>> -> memref<1x1x1x8x128xf32, #tpu.memory_space<hbm>>
        %dma_wait3A_714 = tpu.memref_squeeze %dma_wait3A_713 : memref<1x1x1x8x128xf32, #tpu.memory_space<hbm>> -> memref<8x128xf32, #tpu.memory_space<hbm>>
        %dma_wait3A_715 = arith.constant 32 : i32
        %dma_wait3A_716 = arith.constant 0 : i32
        %dma_wait3A_717 = tpu.memref_slice %arg8[%dma_wait3A_715, %dma_wait3A_716] : memref<64x129xf32, #tpu.memory_space<vmem>> -> memref<8x128xf32, #tpu.memory_space<vmem>>
        tpu.wait_dma2 semaphore(%arg12 : memref<!tpu.dma_semaphore, #tpu.memory_space<semaphore_mem>>) src(%dma_wait3A_717 : memref<8x128xf32, #tpu.memory_space<vmem>>) dst(%dma_wait3A_714 : memref<8x128xf32, #tpu.memory_space<hbm>>)
        %dma_wait3A_718 = arith.constant 0 : i32
        %dma_wait3A_719 = arith.constant 0 : i32
        %dma_wait3A_720 = arith.constant 0 : i32
        %dma_wait3A_721 = arith.constant 40 : i32
        %dma_wait3A_722 = arith.constant 0 : i32
        %dma_wait3A_723 = tpu.memref_slice %arg8[%dma_wait3A_721, %dma_wait3A_722] : memref<64x129xf32, #tpu.memory_space<vmem>> -> memref<8x128xf32, #tpu.memory_space<vmem>>
        %dma_wait3A_724 = arith.constant 0 : i32
        %dma_wait3A_725 = arith.constant 0 : i32
        %dma_wait3A_726 = tpu.memref_slice %arg4[%dma_wait3A_718, %dma_wait3A_719, %dma_wait3A_720, %dma_wait3A_724, %dma_wait3A_725] : memref<200x8x32x8x128xf32, #tpu.memory_space<hbm>> -> memref<1x1x1x8x128xf32, #tpu.memory_space<hbm>>
        %dma_wait3A_727 = tpu.memref_squeeze %dma_wait3A_726 : memref<1x1x1x8x128xf32, #tpu.memory_space<hbm>> -> memref<8x128xf32, #tpu.memory_space<hbm>>
        %dma_wait3A_728 = arith.constant 0 : i32
        %dma_wait3A_729 = arith.constant 0 : i32
        %dma_wait3A_730 = tpu.memref_slice %arg4[%dma_wait3A_718, %dma_wait3A_719, %dma_wait3A_720, %dma_wait3A_728, %dma_wait3A_729] : memref<200x8x32x8x128xf32, #tpu.memory_space<hbm>> -> memref<1x1x1x8x128xf32, #tpu.memory_space<hbm>>
        %dma_wait3A_731 = tpu.memref_squeeze %dma_wait3A_730 : memref<1x1x1x8x128xf32, #tpu.memory_space<hbm>> -> memref<8x128xf32, #tpu.memory_space<hbm>>
        %dma_wait3A_732 = arith.constant 40 : i32
        %dma_wait3A_733 = arith.constant 0 : i32
        %dma_wait3A_734 = tpu.memref_slice %arg8[%dma_wait3A_732, %dma_wait3A_733] : memref<64x129xf32, #tpu.memory_space<vmem>> -> memref<8x128xf32, #tpu.memory_space<vmem>>
        tpu.wait_dma2 semaphore(%arg12 : memref<!tpu.dma_semaphore, #tpu.memory_space<semaphore_mem>>) src(%dma_wait3A_734 : memref<8x128xf32, #tpu.memory_space<vmem>>) dst(%dma_wait3A_731 : memref<8x128xf32, #tpu.memory_space<hbm>>)
        %dma_wait3A_735 = arith.constant 0 : i32
        %dma_wait3A_736 = arith.constant 0 : i32
        %dma_wait3A_737 = arith.constant 0 : i32
        %dma_wait3A_738 = arith.constant 48 : i32
        %dma_wait3A_739 = arith.constant 0 : i32
        %dma_wait3A_740 = tpu.memref_slice %arg8[%dma_wait3A_738, %dma_wait3A_739] : memref<64x129xf32, #tpu.memory_space<vmem>> -> memref<8x128xf32, #tpu.memory_space<vmem>>
        %dma_wait3A_741 = arith.constant 0 : i32
        %dma_wait3A_742 = arith.constant 0 : i32
        %dma_wait3A_743 = tpu.memref_slice %arg4[%dma_wait3A_735, %dma_wait3A_736, %dma_wait3A_737, %dma_wait3A_741, %dma_wait3A_742] : memref<200x8x32x8x128xf32, #tpu.memory_space<hbm>> -> memref<1x1x1x8x128xf32, #tpu.memory_space<hbm>>
        %dma_wait3A_744 = tpu.memref_squeeze %dma_wait3A_743 : memref<1x1x1x8x128xf32, #tpu.memory_space<hbm>> -> memref<8x128xf32, #tpu.memory_space<hbm>>
        %dma_wait3A_745 = arith.constant 0 : i32
        %dma_wait3A_746 = arith.constant 0 : i32
        %dma_wait3A_747 = tpu.memref_slice %arg4[%dma_wait3A_735, %dma_wait3A_736, %dma_wait3A_737, %dma_wait3A_745, %dma_wait3A_746] : memref<200x8x32x8x128xf32, #tpu.memory_space<hbm>> -> memref<1x1x1x8x128xf32, #tpu.memory_space<hbm>>
        %dma_wait3A_748 = tpu.memref_squeeze %dma_wait3A_747 : memref<1x1x1x8x128xf32, #tpu.memory_space<hbm>> -> memref<8x128xf32, #tpu.memory_space<hbm>>
        %dma_wait3A_749 = arith.constant 48 : i32
        %dma_wait3A_750 = arith.constant 0 : i32
        %dma_wait3A_751 = tpu.memref_slice %arg8[%dma_wait3A_749, %dma_wait3A_750] : memref<64x129xf32, #tpu.memory_space<vmem>> -> memref<8x128xf32, #tpu.memory_space<vmem>>
        tpu.wait_dma2 semaphore(%arg12 : memref<!tpu.dma_semaphore, #tpu.memory_space<semaphore_mem>>) src(%dma_wait3A_751 : memref<8x128xf32, #tpu.memory_space<vmem>>) dst(%dma_wait3A_748 : memref<8x128xf32, #tpu.memory_space<hbm>>)
        %dma_wait3A_752 = arith.constant 0 : i32
        %dma_wait3A_753 = arith.constant 0 : i32
        %dma_wait3A_754 = arith.constant 0 : i32
        %dma_wait3A_755 = arith.constant 56 : i32
        %dma_wait3A_756 = arith.constant 0 : i32
        %dma_wait3A_757 = tpu.memref_slice %arg8[%dma_wait3A_755, %dma_wait3A_756] : memref<64x129xf32, #tpu.memory_space<vmem>> -> memref<8x128xf32, #tpu.memory_space<vmem>>
        %dma_wait3A_758 = arith.constant 0 : i32
        %dma_wait3A_759 = arith.constant 0 : i32
        %dma_wait3A_760 = tpu.memref_slice %arg4[%dma_wait3A_752, %dma_wait3A_753, %dma_wait3A_754, %dma_wait3A_758, %dma_wait3A_759] : memref<200x8x32x8x128xf32, #tpu.memory_space<hbm>> -> memref<1x1x1x8x128xf32, #tpu.memory_space<hbm>>
        %dma_wait3A_761 = tpu.memref_squeeze %dma_wait3A_760 : memref<1x1x1x8x128xf32, #tpu.memory_space<hbm>> -> memref<8x128xf32, #tpu.memory_space<hbm>>
        %dma_wait3A_762 = arith.constant 0 : i32
        %dma_wait3A_763 = arith.constant 0 : i32
        %dma_wait3A_764 = tpu.memref_slice %arg4[%dma_wait3A_752, %dma_wait3A_753, %dma_wait3A_754, %dma_wait3A_762, %dma_wait3A_763] : memref<200x8x32x8x128xf32, #tpu.memory_space<hbm>> -> memref<1x1x1x8x128xf32, #tpu.memory_space<hbm>>
        %dma_wait3A_765 = tpu.memref_squeeze %dma_wait3A_764 : memref<1x1x1x8x128xf32, #tpu.memory_space<hbm>> -> memref<8x128xf32, #tpu.memory_space<hbm>>
        %dma_wait3A_766 = arith.constant 56 : i32
        %dma_wait3A_767 = arith.constant 0 : i32
        %dma_wait3A_768 = tpu.memref_slice %arg8[%dma_wait3A_766, %dma_wait3A_767] : memref<64x129xf32, #tpu.memory_space<vmem>> -> memref<8x128xf32, #tpu.memory_space<vmem>>
        tpu.wait_dma2 semaphore(%arg12 : memref<!tpu.dma_semaphore, #tpu.memory_space<semaphore_mem>>) src(%dma_wait3A_768 : memref<8x128xf32, #tpu.memory_space<vmem>>) dst(%dma_wait3A_765 : memref<8x128xf32, #tpu.memory_space<hbm>>)
      } else {
      }
      %dma_wait3A_309 = arith.constant 0 : i32
      %dma_wait3A_310 = arith.constant 0 : i32
      %dma_wait3A_311 = tpu.memref_slice %arg5[%dma_wait3A_309, %dma_wait3A_310] : memref<200x128xi32, #tpu.memory_space<vmem>> -> memref<1x128xi32, #tpu.memory_space<vmem>>
      %dma_wait3A_312 = tpu.memref_squeeze %dma_wait3A_311 : memref<1x128xi32, #tpu.memory_space<vmem>> -> memref<128xi32, #tpu.memory_space<vmem>>
      %dma_wait3A_313 = arith.constant 0 : i32
      %dma_wait3A_314 = arith.constant 0 : i32
      %dma_wait3A_315 = tpu.memref_slice %arg2[%dma_wait3A_313, %dma_wait3A_314] : memref<1000000x64xf32, #tpu.memory_space<hbm>> -> memref<1000000x64xf32, #tpu.memory_space<hbm>>
      tpu.wait_indirect_dma semaphore(%arg10 : memref<!tpu.dma_semaphore, #tpu.memory_space<semaphore_mem>>) src(%dma_wait3A_315 : memref<1000000x64xf32, #tpu.memory_space<hbm>>) dst(%arg6 : memref<128x64xf32, #tpu.memory_space<vmem>>)
      %parallel_loop3A = arith.constant 0 : i32
      %parallel_loop3A_316 = arith.constant 128 : i32
      %parallel_loop3A_317 = arith.constant 1 : i32
      scf.for %parallel_loop3A_633 = %parallel_loop3A to %parallel_loop3A_316 step %parallel_loop3A_317  : i32 {
        %parallel_loop3A_634 = vector.broadcast %parallel_loop3A_633 : i32 to vector<16xi32>
        %parallel_loop3A_635 = arith.addi %sub3A, %parallel_loop3A_634 : vector<16xi32>
        %parallel_loop3A_636 = arith.index_cast %parallel_loop3A_633 : i32 to index
        %parallel_loop3A_637 = arith.constant 0 : index
        %parallel_loop3A_638 = tpu.vector_load %arg6[%parallel_loop3A_636, %parallel_loop3A_637] {strides = array<i32>} : memref<128x64xf32, #tpu.memory_space<vmem>>, vector<16xf32>,
        tpu.vector_store_idx %arg8[%add3A_5, %parallel_loop3A_635], %parallel_loop3A_638 : memref<64x129xf32, #tpu.memory_space<vmem>>[vector<16xi32>, vector<16xi32>], vector<16xf32>,
        %parallel_loop3A_639 = arith.index_cast %parallel_loop3A_633 : i32 to index
        %parallel_loop3A_640 = arith.constant 16 : index
        %parallel_loop3A_641 = tpu.vector_load %arg6[%parallel_loop3A_639, %parallel_loop3A_640] {strides = array<i32>} : memref<128x64xf32, #tpu.memory_space<vmem>>, vector<16xf32>,
        tpu.vector_store_idx %arg8[%add3A_8, %parallel_loop3A_635], %parallel_loop3A_641 : memref<64x129xf32, #tpu.memory_space<vmem>>[vector<16xi32>, vector<16xi32>], vector<16xf32>,
        %parallel_loop3A_642 = arith.index_cast %parallel_loop3A_633 : i32 to index
        %parallel_loop3A_643 = arith.constant 32 : index
        %parallel_loop3A_644 = tpu.vector_load %arg6[%parallel_loop3A_642, %parallel_loop3A_643] {strides = array<i32>} : memref<128x64xf32, #tpu.memory_space<vmem>>, vector<16xf32>,
        tpu.vector_store_idx %arg8[%add3A_11, %parallel_loop3A_635], %parallel_loop3A_644 : memref<64x129xf32, #tpu.memory_space<vmem>>[vector<16xi32>, vector<16xi32>], vector<16xf32>,
        %parallel_loop3A_645 = arith.index_cast %parallel_loop3A_633 : i32 to index
        %parallel_loop3A_646 = arith.constant 48 : index
        %parallel_loop3A_647 = tpu.vector_load %arg6[%parallel_loop3A_645, %parallel_loop3A_646] {strides = array<i32>} : memref<128x64xf32, #tpu.memory_space<vmem>>, vector<16xf32>,
        tpu.vector_store_idx %arg8[%add3A_14, %parallel_loop3A_635], %parallel_loop3A_647 : memref<64x129xf32, #tpu.memory_space<vmem>>[vector<16xi32>, vector<16xi32>], vector<16xf32>,
      } {sc.loop_unroll_factor = 4 : i64, sc.parallel_access}
      %lt3A = arith.constant 99 : i32
      %lt3A_318 = arith.cmpi slt, %scan3A_304, %lt3A : i32
      %convert_element_type3A_319 = arith.extui %lt3A_318 : i1 to i32
      %cond3A_320 = arith.constant 0 : i32
      %cond3A_321 = arith.cmpi ne, %convert_element_type3A_319, %cond3A_320 : i32
      scf.if %cond3A_321 {
        %add3A_633 = arith.constant 2 : i32
        %add3A_634 = arith.addi %mul3A_306, %add3A_633 : i32
        %dma_start3A_635 = arith.constant 0 : i32
        %dma_start3A_636 = tpu.memref_slice %arg5[%add3A_634, %dma_start3A_635] : memref<200x128xi32, #tpu.memory_space<vmem>> -> memref<1x128xi32, #tpu.memory_space<vmem>>
        %dma_start3A_637 = tpu.memref_squeeze %dma_start3A_636 : memref<1x128xi32, #tpu.memory_space<vmem>> -> memref<128xi32, #tpu.memory_space<vmem>>
        %dma_start3A_638 = arith.constant 0 : i32
        %dma_start3A_639 = arith.constant 0 : i32
        %dma_start3A_640 = tpu.memref_slice %arg2[%dma_start3A_638, %dma_start3A_639] : memref<1000000x64xf32, #tpu.memory_space<hbm>> -> memref<1000000x64xf32, #tpu.memory_space<hbm>>
        tpu.enqueue_indirect_dma source(%dma_start3A_640 : memref<1000000x64xf32, #tpu.memory_space<hbm>>) target(%arg6 : memref<128x64xf32, #tpu.memory_space<vmem>>) offsets(%dma_start3A_637 : memref<128xi32, #tpu.memory_space<vmem>>) semaphore(%arg10 : memref<!tpu.dma_semaphore, #tpu.memory_space<semaphore_mem>>)
      } else {
      }
      %add3A_322 = arith.addi %mul3A_2, %mul3A_306 : i32
      %jit3A = arith.constant 32 : i32
      %div3A = arith.divsi %add3A_322, %jit3A : i32
      %sign3A = arith.constant 0 : i32
      %sign3A_323 = arith.cmpi sgt, %add3A_322, %sign3A : i32
      %sign3A_324 = arith.extui %sign3A_323 : i1 to i32
      %sign3A_325 = arith.constant 0 : i32
      %sign3A_326 = arith.cmpi slt, %add3A_322, %sign3A_325 : i32
      %sign3A_327 = arith.extui %sign3A_326 : i1 to i32
      %sign3A_328 = arith.subi %sign3A_324, %sign3A_327 : i32
      %sign3A_329 = arith.constant 0 : i32
      %sign3A_330 = arith.cmpi sgt, %jit3A, %sign3A_329 : i32
      %sign3A_331 = arith.extui %sign3A_330 : i1 to i32
      %sign3A_332 = arith.constant 0 : i32
      %sign3A_333 = arith.cmpi slt, %jit3A, %sign3A_332 : i32
      %sign3A_334 = arith.extui %sign3A_333 : i1 to i32
      %sign3A_335 = arith.subi %sign3A_331, %sign3A_334 : i32
      %ne3A = arith.cmpi ne, %sign3A_328, %sign3A_335 : i32
      %rem3A = arith.remsi %add3A_322, %jit3A : i32
      %ne3A_336 = arith.constant 0 : i32
      %ne3A_337 = arith.cmpi ne, %rem3A, %ne3A_336 : i32
      %and3A = arith.andi %ne3A, %ne3A_337 : i1
      %sub3A_338 = arith.constant 1 : i32
      %sub3A_339 = arith.subi %div3A, %sub3A_338 : i32
      %select_n3A = arith.select %and3A, %sub3A_339, %div3A : i32
      %mul3A_340 = arith.constant 32 : i32
      %mul3A_341 = arith.muli %select_n3A, %mul3A_340 : i32
      %sub3A_342 = arith.subi %add3A_322, %mul3A_341 : i32
      %dma_start3A_343 = arith.constant 0 : i32
      %dma_start3A_344 = arith.constant 0 : i32
      %dma_start3A_345 = arith.constant 0 : i32
      %dma_start3A_346 = tpu.memref_slice %arg8[%dma_start3A_344, %dma_start3A_345] : memref<64x129xf32, #tpu.memory_space<vmem>> -> memref<8x128xf32, #tpu.memory_space<vmem>>
      %dma_start3A_347 = arith.constant 0 : i32
      %dma_start3A_348 = arith.constant 0 : i32
      %dma_start3A_349 = tpu.memref_slice %arg4[%select_n3A, %dma_start3A_343, %sub3A_342, %dma_start3A_347, %dma_start3A_348] : memref<200x8x32x8x128xf32, #tpu.memory_space<hbm>> -> memref<1x1x1x8x128xf32, #tpu.memory_space<hbm>>
      %dma_start3A_350 = tpu.memref_squeeze %dma_start3A_349 : memref<1x1x1x8x128xf32, #tpu.memory_space<hbm>> -> memref<8x128xf32, #tpu.memory_space<hbm>>
      %dma_start3A_351 = arith.constant 0 : i32
      %dma_start3A_352 = arith.constant 0 : i32
      %dma_start3A_353 = tpu.memref_slice %arg4[%select_n3A, %dma_start3A_343, %sub3A_342, %dma_start3A_351, %dma_start3A_352] : memref<200x8x32x8x128xf32, #tpu.memory_space<hbm>> -> memref<1x1x1x8x128xf32, #tpu.memory_space<hbm>>
      %dma_start3A_354 = tpu.memref_squeeze %dma_start3A_353 : memref<1x1x1x8x128xf32, #tpu.memory_space<hbm>> -> memref<8x128xf32, #tpu.memory_space<hbm>>
      %dma_start3A_355 = arith.constant 0 : i32
      %dma_start3A_356 = arith.constant 0 : i32
      %dma_start3A_357 = tpu.memref_slice %arg8[%dma_start3A_355, %dma_start3A_356] : memref<64x129xf32, #tpu.memory_space<vmem>> -> memref<8x128xf32, #tpu.memory_space<vmem>>
      tpu.enqueue_dma source(%dma_start3A_357 : memref<8x128xf32, #tpu.memory_space<vmem>>) target(%dma_start3A_354 : memref<8x128xf32, #tpu.memory_space<hbm>>) target_semaphore(%arg12 : memref<!tpu.dma_semaphore, #tpu.memory_space<semaphore_mem>>)
      %dma_start3A_358 = arith.constant 1 : i32
      %dma_start3A_359 = arith.constant 8 : i32
      %dma_start3A_360 = arith.constant 0 : i32
      %dma_start3A_361 = tpu.memref_slice %arg8[%dma_start3A_359, %dma_start3A_360] : memref<64x129xf32, #tpu.memory_space<vmem>> -> memref<8x128xf32, #tpu.memory_space<vmem>>
      %dma_start3A_362 = arith.constant 0 : i32
      %dma_start3A_363 = arith.constant 0 : i32
      %dma_start3A_364 = tpu.memref_slice %arg4[%select_n3A, %dma_start3A_358, %sub3A_342, %dma_start3A_362, %dma_start3A_363] : memref<200x8x32x8x128xf32, #tpu.memory_space<hbm>> -> memref<1x1x1x8x128xf32, #tpu.memory_space<hbm>>
      %dma_start3A_365 = tpu.memref_squeeze %dma_start3A_364 : memref<1x1x1x8x128xf32, #tpu.memory_space<hbm>> -> memref<8x128xf32, #tpu.memory_space<hbm>>
      %dma_start3A_366 = arith.constant 0 : i32
      %dma_start3A_367 = arith.constant 0 : i32
      %dma_start3A_368 = tpu.memref_slice %arg4[%select_n3A, %dma_start3A_358, %sub3A_342, %dma_start3A_366, %dma_start3A_367] : memref<200x8x32x8x128xf32, #tpu.memory_space<hbm>> -> memref<1x1x1x8x128xf32, #tpu.memory_space<hbm>>
      %dma_start3A_369 = tpu.memref_squeeze %dma_start3A_368 : memref<1x1x1x8x128xf32, #tpu.memory_space<hbm>> -> memref<8x128xf32, #tpu.memory_space<hbm>>
      %dma_start3A_370 = arith.constant 8 : i32
      %dma_start3A_371 = arith.constant 0 : i32
      %dma_start3A_372 = tpu.memref_slice %arg8[%dma_start3A_370, %dma_start3A_371] : memref<64x129xf32, #tpu.memory_space<vmem>> -> memref<8x128xf32, #tpu.memory_space<vmem>>
      tpu.enqueue_dma source(%dma_start3A_372 : memref<8x128xf32, #tpu.memory_space<vmem>>) target(%dma_start3A_369 : memref<8x128xf32, #tpu.memory_space<hbm>>) target_semaphore(%arg12 : memref<!tpu.dma_semaphore, #tpu.memory_space<semaphore_mem>>)
      %dma_start3A_373 = arith.constant 2 : i32
      %dma_start3A_374 = arith.constant 16 : i32
      %dma_start3A_375 = arith.constant 0 : i32
      %dma_start3A_376 = tpu.memref_slice %arg8[%dma_start3A_374, %dma_start3A_375] : memref<64x129xf32, #tpu.memory_space<vmem>> -> memref<8x128xf32, #tpu.memory_space<vmem>>
      %dma_start3A_377 = arith.constant 0 : i32
      %dma_start3A_378 = arith.constant 0 : i32
      %dma_start3A_379 = tpu.memref_slice %arg4[%select_n3A, %dma_start3A_373, %sub3A_342, %dma_start3A_377, %dma_start3A_378] : memref<200x8x32x8x128xf32, #tpu.memory_space<hbm>> -> memref<1x1x1x8x128xf32, #tpu.memory_space<hbm>>
      %dma_start3A_380 = tpu.memref_squeeze %dma_start3A_379 : memref<1x1x1x8x128xf32, #tpu.memory_space<hbm>> -> memref<8x128xf32, #tpu.memory_space<hbm>>
      %dma_start3A_381 = arith.constant 0 : i32
      %dma_start3A_382 = arith.constant 0 : i32
      %dma_start3A_383 = tpu.memref_slice %arg4[%select_n3A, %dma_start3A_373, %sub3A_342, %dma_start3A_381, %dma_start3A_382] : memref<200x8x32x8x128xf32, #tpu.memory_space<hbm>> -> memref<1x1x1x8x128xf32, #tpu.memory_space<hbm>>
      %dma_start3A_384 = tpu.memref_squeeze %dma_start3A_383 : memref<1x1x1x8x128xf32, #tpu.memory_space<hbm>> -> memref<8x128xf32, #tpu.memory_space<hbm>>
      %dma_start3A_385 = arith.constant 16 : i32
      %dma_start3A_386 = arith.constant 0 : i32
      %dma_start3A_387 = tpu.memref_slice %arg8[%dma_start3A_385, %dma_start3A_386] : memref<64x129xf32, #tpu.memory_space<vmem>> -> memref<8x128xf32, #tpu.memory_space<vmem>>
      tpu.enqueue_dma source(%dma_start3A_387 : memref<8x128xf32, #tpu.memory_space<vmem>>) target(%dma_start3A_384 : memref<8x128xf32, #tpu.memory_space<hbm>>) target_semaphore(%arg12 : memref<!tpu.dma_semaphore, #tpu.memory_space<semaphore_mem>>)
      %dma_start3A_388 = arith.constant 3 : i32
      %dma_start3A_389 = arith.constant 24 : i32
      %dma_start3A_390 = arith.constant 0 : i32
      %dma_start3A_391 = tpu.memref_slice %arg8[%dma_start3A_389, %dma_start3A_390] : memref<64x129xf32, #tpu.memory_space<vmem>> -> memref<8x128xf32, #tpu.memory_space<vmem>>
      %dma_start3A_392 = arith.constant 0 : i32
      %dma_start3A_393 = arith.constant 0 : i32
      %dma_start3A_394 = tpu.memref_slice %arg4[%select_n3A, %dma_start3A_388, %sub3A_342, %dma_start3A_392, %dma_start3A_393] : memref<200x8x32x8x128xf32, #tpu.memory_space<hbm>> -> memref<1x1x1x8x128xf32, #tpu.memory_space<hbm>>
      %dma_start3A_395 = tpu.memref_squeeze %dma_start3A_394 : memref<1x1x1x8x128xf32, #tpu.memory_space<hbm>> -> memref<8x128xf32, #tpu.memory_space<hbm>>
      %dma_start3A_396 = arith.constant 0 : i32
      %dma_start3A_397 = arith.constant 0 : i32
      %dma_start3A_398 = tpu.memref_slice %arg4[%select_n3A, %dma_start3A_388, %sub3A_342, %dma_start3A_396, %dma_start3A_397] : memref<200x8x32x8x128xf32, #tpu.memory_space<hbm>> -> memref<1x1x1x8x128xf32, #tpu.memory_space<hbm>>
      %dma_start3A_399 = tpu.memref_squeeze %dma_start3A_398 : memref<1x1x1x8x128xf32, #tpu.memory_space<hbm>> -> memref<8x128xf32, #tpu.memory_space<hbm>>
      %dma_start3A_400 = arith.constant 24 : i32
      %dma_start3A_401 = arith.constant 0 : i32
      %dma_start3A_402 = tpu.memref_slice %arg8[%dma_start3A_400, %dma_start3A_401] : memref<64x129xf32, #tpu.memory_space<vmem>> -> memref<8x128xf32, #tpu.memory_space<vmem>>
      tpu.enqueue_dma source(%dma_start3A_402 : memref<8x128xf32, #tpu.memory_space<vmem>>) target(%dma_start3A_399 : memref<8x128xf32, #tpu.memory_space<hbm>>) target_semaphore(%arg12 : memref<!tpu.dma_semaphore, #tpu.memory_space<semaphore_mem>>)
      %dma_start3A_403 = arith.constant 4 : i32
      %dma_start3A_404 = arith.constant 32 : i32
      %dma_start3A_405 = arith.constant 0 : i32
      %dma_start3A_406 = tpu.memref_slice %arg8[%dma_start3A_404, %dma_start3A_405] : memref<64x129xf32, #tpu.memory_space<vmem>> -> memref<8x128xf32, #tpu.memory_space<vmem>>
      %dma_start3A_407 = arith.constant 0 : i32
      %dma_start3A_408 = arith.constant 0 : i32
      %dma_start3A_409 = tpu.memref_slice %arg4[%select_n3A, %dma_start3A_403, %sub3A_342, %dma_start3A_407, %dma_start3A_408] : memref<200x8x32x8x128xf32, #tpu.memory_space<hbm>> -> memref<1x1x1x8x128xf32, #tpu.memory_space<hbm>>
      %dma_start3A_410 = tpu.memref_squeeze %dma_start3A_409 : memref<1x1x1x8x128xf32, #tpu.memory_space<hbm>> -> memref<8x128xf32, #tpu.memory_space<hbm>>
      %dma_start3A_411 = arith.constant 0 : i32
      %dma_start3A_412 = arith.constant 0 : i32
      %dma_start3A_413 = tpu.memref_slice %arg4[%select_n3A, %dma_start3A_403, %sub3A_342, %dma_start3A_411, %dma_start3A_412] : memref<200x8x32x8x128xf32, #tpu.memory_space<hbm>> -> memref<1x1x1x8x128xf32, #tpu.memory_space<hbm>>
      %dma_start3A_414 = tpu.memref_squeeze %dma_start3A_413 : memref<1x1x1x8x128xf32, #tpu.memory_space<hbm>> -> memref<8x128xf32, #tpu.memory_space<hbm>>
      %dma_start3A_415 = arith.constant 32 : i32
      %dma_start3A_416 = arith.constant 0 : i32
      %dma_start3A_417 = tpu.memref_slice %arg8[%dma_start3A_415, %dma_start3A_416] : memref<64x129xf32, #tpu.memory_space<vmem>> -> memref<8x128xf32, #tpu.memory_space<vmem>>
      tpu.enqueue_dma source(%dma_start3A_417 : memref<8x128xf32, #tpu.memory_space<vmem>>) target(%dma_start3A_414 : memref<8x128xf32, #tpu.memory_space<hbm>>) target_semaphore(%arg12 : memref<!tpu.dma_semaphore, #tpu.memory_space<semaphore_mem>>)
      %dma_start3A_418 = arith.constant 5 : i32
      %dma_start3A_419 = arith.constant 40 : i32
      %dma_start3A_420 = arith.constant 0 : i32
      %dma_start3A_421 = tpu.memref_slice %arg8[%dma_start3A_419, %dma_start3A_420] : memref<64x129xf32, #tpu.memory_space<vmem>> -> memref<8x128xf32, #tpu.memory_space<vmem>>
      %dma_start3A_422 = arith.constant 0 : i32
      %dma_start3A_423 = arith.constant 0 : i32
      %dma_start3A_424 = tpu.memref_slice %arg4[%select_n3A, %dma_start3A_418, %sub3A_342, %dma_start3A_422, %dma_start3A_423] : memref<200x8x32x8x128xf32, #tpu.memory_space<hbm>> -> memref<1x1x1x8x128xf32, #tpu.memory_space<hbm>>
      %dma_start3A_425 = tpu.memref_squeeze %dma_start3A_424 : memref<1x1x1x8x128xf32, #tpu.memory_space<hbm>> -> memref<8x128xf32, #tpu.memory_space<hbm>>
      %dma_start3A_426 = arith.constant 0 : i32
      %dma_start3A_427 = arith.constant 0 : i32
      %dma_start3A_428 = tpu.memref_slice %arg4[%select_n3A, %dma_start3A_418, %sub3A_342, %dma_start3A_426, %dma_start3A_427] : memref<200x8x32x8x128xf32, #tpu.memory_space<hbm>> -> memref<1x1x1x8x128xf32, #tpu.memory_space<hbm>>
      %dma_start3A_429 = tpu.memref_squeeze %dma_start3A_428 : memref<1x1x1x8x128xf32, #tpu.memory_space<hbm>> -> memref<8x128xf32, #tpu.memory_space<hbm>>
      %dma_start3A_430 = arith.constant 40 : i32
      %dma_start3A_431 = arith.constant 0 : i32
      %dma_start3A_432 = tpu.memref_slice %arg8[%dma_start3A_430, %dma_start3A_431] : memref<64x129xf32, #tpu.memory_space<vmem>> -> memref<8x128xf32, #tpu.memory_space<vmem>>
      tpu.enqueue_dma source(%dma_start3A_432 : memref<8x128xf32, #tpu.memory_space<vmem>>) target(%dma_start3A_429 : memref<8x128xf32, #tpu.memory_space<hbm>>) target_semaphore(%arg12 : memref<!tpu.dma_semaphore, #tpu.memory_space<semaphore_mem>>)
      %dma_start3A_433 = arith.constant 6 : i32
      %dma_start3A_434 = arith.constant 48 : i32
      %dma_start3A_435 = arith.constant 0 : i32
      %dma_start3A_436 = tpu.memref_slice %arg8[%dma_start3A_434, %dma_start3A_435] : memref<64x129xf32, #tpu.memory_space<vmem>> -> memref<8x128xf32, #tpu.memory_space<vmem>>
      %dma_start3A_437 = arith.constant 0 : i32
      %dma_start3A_438 = arith.constant 0 : i32
      %dma_start3A_439 = tpu.memref_slice %arg4[%select_n3A, %dma_start3A_433, %sub3A_342, %dma_start3A_437, %dma_start3A_438] : memref<200x8x32x8x128xf32, #tpu.memory_space<hbm>> -> memref<1x1x1x8x128xf32, #tpu.memory_space<hbm>>
      %dma_start3A_440 = tpu.memref_squeeze %dma_start3A_439 : memref<1x1x1x8x128xf32, #tpu.memory_space<hbm>> -> memref<8x128xf32, #tpu.memory_space<hbm>>
      %dma_start3A_441 = arith.constant 0 : i32
      %dma_start3A_442 = arith.constant 0 : i32
      %dma_start3A_443 = tpu.memref_slice %arg4[%select_n3A, %dma_start3A_433, %sub3A_342, %dma_start3A_441, %dma_start3A_442] : memref<200x8x32x8x128xf32, #tpu.memory_space<hbm>> -> memref<1x1x1x8x128xf32, #tpu.memory_space<hbm>>
      %dma_start3A_444 = tpu.memref_squeeze %dma_start3A_443 : memref<1x1x1x8x128xf32, #tpu.memory_space<hbm>> -> memref<8x128xf32, #tpu.memory_space<hbm>>
      %dma_start3A_445 = arith.constant 48 : i32
      %dma_start3A_446 = arith.constant 0 : i32
      %dma_start3A_447 = tpu.memref_slice %arg8[%dma_start3A_445, %dma_start3A_446] : memref<64x129xf32, #tpu.memory_space<vmem>> -> memref<8x128xf32, #tpu.memory_space<vmem>>
      tpu.enqueue_dma source(%dma_start3A_447 : memref<8x128xf32, #tpu.memory_space<vmem>>) target(%dma_start3A_444 : memref<8x128xf32, #tpu.memory_space<hbm>>) target_semaphore(%arg12 : memref<!tpu.dma_semaphore, #tpu.memory_space<semaphore_mem>>)
      %dma_start3A_448 = arith.constant 7 : i32
      %dma_start3A_449 = arith.constant 56 : i32
      %dma_start3A_450 = arith.constant 0 : i32
      %dma_start3A_451 = tpu.memref_slice %arg8[%dma_start3A_449, %dma_start3A_450] : memref<64x129xf32, #tpu.memory_space<vmem>> -> memref<8x128xf32, #tpu.memory_space<vmem>>
      %dma_start3A_452 = arith.constant 0 : i32
      %dma_start3A_453 = arith.constant 0 : i32
      %dma_start3A_454 = tpu.memref_slice %arg4[%select_n3A, %dma_start3A_448, %sub3A_342, %dma_start3A_452, %dma_start3A_453] : memref<200x8x32x8x128xf32, #tpu.memory_space<hbm>> -> memref<1x1x1x8x128xf32, #tpu.memory_space<hbm>>
      %dma_start3A_455 = tpu.memref_squeeze %dma_start3A_454 : memref<1x1x1x8x128xf32, #tpu.memory_space<hbm>> -> memref<8x128xf32, #tpu.memory_space<hbm>>
      %dma_start3A_456 = arith.constant 0 : i32
      %dma_start3A_457 = arith.constant 0 : i32
      %dma_start3A_458 = tpu.memref_slice %arg4[%select_n3A, %dma_start3A_448, %sub3A_342, %dma_start3A_456, %dma_start3A_457] : memref<200x8x32x8x128xf32, #tpu.memory_space<hbm>> -> memref<1x1x1x8x128xf32, #tpu.memory_space<hbm>>
      %dma_start3A_459 = tpu.memref_squeeze %dma_start3A_458 : memref<1x1x1x8x128xf32, #tpu.memory_space<hbm>> -> memref<8x128xf32, #tpu.memory_space<hbm>>
      %dma_start3A_460 = arith.constant 56 : i32
      %dma_start3A_461 = arith.constant 0 : i32
      %dma_start3A_462 = tpu.memref_slice %arg8[%dma_start3A_460, %dma_start3A_461] : memref<64x129xf32, #tpu.memory_space<vmem>> -> memref<8x128xf32, #tpu.memory_space<vmem>>
      tpu.enqueue_dma source(%dma_start3A_462 : memref<8x128xf32, #tpu.memory_space<vmem>>) target(%dma_start3A_459 : memref<8x128xf32, #tpu.memory_space<hbm>>) target_semaphore(%arg12 : memref<!tpu.dma_semaphore, #tpu.memory_space<semaphore_mem>>)
      %gt3A_463 = arith.constant 0 : i32
      %gt3A_464 = arith.cmpi sgt, %scan3A_304, %gt3A_463 : i32
      %convert_element_type3A_465 = arith.extui %gt3A_464 : i1 to i32
      %cond3A_466 = arith.constant 0 : i32
      %cond3A_467 = arith.cmpi ne, %convert_element_type3A_465, %cond3A_466 : i32
      scf.if %cond3A_467 {
        %dma_wait3A_633 = arith.constant 0 : i32
        %dma_wait3A_634 = arith.constant 0 : i32
        %dma_wait3A_635 = arith.constant 0 : i32
        %dma_wait3A_636 = arith.constant 0 : i32
        %dma_wait3A_637 = arith.constant 0 : i32
        %dma_wait3A_638 = tpu.memref_slice %arg9[%dma_wait3A_636, %dma_wait3A_637] : memref<64x129xf32, #tpu.memory_space<vmem>> -> memref<8x128xf32, #tpu.memory_space<vmem>>
        %dma_wait3A_639 = arith.constant 0 : i32
        %dma_wait3A_640 = arith.constant 0 : i32
        %dma_wait3A_641 = tpu.memref_slice %arg4[%dma_wait3A_633, %dma_wait3A_634, %dma_wait3A_635, %dma_wait3A_639, %dma_wait3A_640] : memref<200x8x32x8x128xf32, #tpu.memory_space<hbm>> -> memref<1x1x1x8x128xf32, #tpu.memory_space<hbm>>
        %dma_wait3A_642 = tpu.memref_squeeze %dma_wait3A_641 : memref<1x1x1x8x128xf32, #tpu.memory_space<hbm>> -> memref<8x128xf32, #tpu.memory_space<hbm>>
        %dma_wait3A_643 = arith.constant 0 : i32
        %dma_wait3A_644 = arith.constant 0 : i32
        %dma_wait3A_645 = tpu.memref_slice %arg4[%dma_wait3A_633, %dma_wait3A_634, %dma_wait3A_635, %dma_wait3A_643, %dma_wait3A_644] : memref<200x8x32x8x128xf32, #tpu.memory_space<hbm>> -> memref<1x1x1x8x128xf32, #tpu.memory_space<hbm>>
        %dma_wait3A_646 = tpu.memref_squeeze %dma_wait3A_645 : memref<1x1x1x8x128xf32, #tpu.memory_space<hbm>> -> memref<8x128xf32, #tpu.memory_space<hbm>>
        %dma_wait3A_647 = arith.constant 0 : i32
        %dma_wait3A_648 = arith.constant 0 : i32
        %dma_wait3A_649 = tpu.memref_slice %arg9[%dma_wait3A_647, %dma_wait3A_648] : memref<64x129xf32, #tpu.memory_space<vmem>> -> memref<8x128xf32, #tpu.memory_space<vmem>>
        tpu.wait_dma2 semaphore(%arg13 : memref<!tpu.dma_semaphore, #tpu.memory_space<semaphore_mem>>) src(%dma_wait3A_649 : memref<8x128xf32, #tpu.memory_space<vmem>>) dst(%dma_wait3A_646 : memref<8x128xf32, #tpu.memory_space<hbm>>)
        %dma_wait3A_650 = arith.constant 0 : i32
        %dma_wait3A_651 = arith.constant 0 : i32
        %dma_wait3A_652 = arith.constant 0 : i32
        %dma_wait3A_653 = arith.constant 8 : i32
        %dma_wait3A_654 = arith.constant 0 : i32
        %dma_wait3A_655 = tpu.memref_slice %arg9[%dma_wait3A_653, %dma_wait3A_654] : memref<64x129xf32, #tpu.memory_space<vmem>> -> memref<8x128xf32, #tpu.memory_space<vmem>>
        %dma_wait3A_656 = arith.constant 0 : i32
        %dma_wait3A_657 = arith.constant 0 : i32
        %dma_wait3A_658 = tpu.memref_slice %arg4[%dma_wait3A_650, %dma_wait3A_651, %dma_wait3A_652, %dma_wait3A_656, %dma_wait3A_657] : memref<200x8x32x8x128xf32, #tpu.memory_space<hbm>> -> memref<1x1x1x8x128xf32, #tpu.memory_space<hbm>>
        %dma_wait3A_659 = tpu.memref_squeeze %dma_wait3A_658 : memref<1x1x1x8x128xf32, #tpu.memory_space<hbm>> -> memref<8x128xf32, #tpu.memory_space<hbm>>
        %dma_wait3A_660 = arith.constant 0 : i32
        %dma_wait3A_661 = arith.constant 0 : i32
        %dma_wait3A_662 = tpu.memref_slice %arg4[%dma_wait3A_650, %dma_wait3A_651, %dma_wait3A_652, %dma_wait3A_660, %dma_wait3A_661] : memref<200x8x32x8x128xf32, #tpu.memory_space<hbm>> -> memref<1x1x1x8x128xf32, #tpu.memory_space<hbm>>
        %dma_wait3A_663 = tpu.memref_squeeze %dma_wait3A_662 : memref<1x1x1x8x128xf32, #tpu.memory_space<hbm>> -> memref<8x128xf32, #tpu.memory_space<hbm>>
        %dma_wait3A_664 = arith.constant 8 : i32
        %dma_wait3A_665 = arith.constant 0 : i32
        %dma_wait3A_666 = tpu.memref_slice %arg9[%dma_wait3A_664, %dma_wait3A_665] : memref<64x129xf32, #tpu.memory_space<vmem>> -> memref<8x128xf32, #tpu.memory_space<vmem>>
        tpu.wait_dma2 semaphore(%arg13 : memref<!tpu.dma_semaphore, #tpu.memory_space<semaphore_mem>>) src(%dma_wait3A_666 : memref<8x128xf32, #tpu.memory_space<vmem>>) dst(%dma_wait3A_663 : memref<8x128xf32, #tpu.memory_space<hbm>>)
        %dma_wait3A_667 = arith.constant 0 : i32
        %dma_wait3A_668 = arith.constant 0 : i32
        %dma_wait3A_669 = arith.constant 0 : i32
        %dma_wait3A_670 = arith.constant 16 : i32
        %dma_wait3A_671 = arith.constant 0 : i32
        %dma_wait3A_672 = tpu.memref_slice %arg9[%dma_wait3A_670, %dma_wait3A_671] : memref<64x129xf32, #tpu.memory_space<vmem>> -> memref<8x128xf32, #tpu.memory_space<vmem>>
        %dma_wait3A_673 = arith.constant 0 : i32
        %dma_wait3A_674 = arith.constant 0 : i32
        %dma_wait3A_675 = tpu.memref_slice %arg4[%dma_wait3A_667, %dma_wait3A_668, %dma_wait3A_669, %dma_wait3A_673, %dma_wait3A_674] : memref<200x8x32x8x128xf32, #tpu.memory_space<hbm>> -> memref<1x1x1x8x128xf32, #tpu.memory_space<hbm>>
        %dma_wait3A_676 = tpu.memref_squeeze %dma_wait3A_675 : memref<1x1x1x8x128xf32, #tpu.memory_space<hbm>> -> memref<8x128xf32, #tpu.memory_space<hbm>>
        %dma_wait3A_677 = arith.constant 0 : i32
        %dma_wait3A_678 = arith.constant 0 : i32
        %dma_wait3A_679 = tpu.memref_slice %arg4[%dma_wait3A_667, %dma_wait3A_668, %dma_wait3A_669, %dma_wait3A_677, %dma_wait3A_678] : memref<200x8x32x8x128xf32, #tpu.memory_space<hbm>> -> memref<1x1x1x8x128xf32, #tpu.memory_space<hbm>>
        %dma_wait3A_680 = tpu.memref_squeeze %dma_wait3A_679 : memref<1x1x1x8x128xf32, #tpu.memory_space<hbm>> -> memref<8x128xf32, #tpu.memory_space<hbm>>
        %dma_wait3A_681 = arith.constant 16 : i32
        %dma_wait3A_682 = arith.constant 0 : i32
        %dma_wait3A_683 = tpu.memref_slice %arg9[%dma_wait3A_681, %dma_wait3A_682] : memref<64x129xf32, #tpu.memory_space<vmem>> -> memref<8x128xf32, #tpu.memory_space<vmem>>
        tpu.wait_dma2 semaphore(%arg13 : memref<!tpu.dma_semaphore, #tpu.memory_space<semaphore_mem>>) src(%dma_wait3A_683 : memref<8x128xf32, #tpu.memory_space<vmem>>) dst(%dma_wait3A_680 : memref<8x128xf32, #tpu.memory_space<hbm>>)
        %dma_wait3A_684 = arith.constant 0 : i32
        %dma_wait3A_685 = arith.constant 0 : i32
        %dma_wait3A_686 = arith.constant 0 : i32
        %dma_wait3A_687 = arith.constant 24 : i32
        %dma_wait3A_688 = arith.constant 0 : i32
        %dma_wait3A_689 = tpu.memref_slice %arg9[%dma_wait3A_687, %dma_wait3A_688] : memref<64x129xf32, #tpu.memory_space<vmem>> -> memref<8x128xf32, #tpu.memory_space<vmem>>
        %dma_wait3A_690 = arith.constant 0 : i32
        %dma_wait3A_691 = arith.constant 0 : i32
        %dma_wait3A_692 = tpu.memref_slice %arg4[%dma_wait3A_684, %dma_wait3A_685, %dma_wait3A_686, %dma_wait3A_690, %dma_wait3A_691] : memref<200x8x32x8x128xf32, #tpu.memory_space<hbm>> -> memref<1x1x1x8x128xf32, #tpu.memory_space<hbm>>
        %dma_wait3A_693 = tpu.memref_squeeze %dma_wait3A_692 : memref<1x1x1x8x128xf32, #tpu.memory_space<hbm>> -> memref<8x128xf32, #tpu.memory_space<hbm>>
        %dma_wait3A_694 = arith.constant 0 : i32
        %dma_wait3A_695 = arith.constant 0 : i32
        %dma_wait3A_696 = tpu.memref_slice %arg4[%dma_wait3A_684, %dma_wait3A_685, %dma_wait3A_686, %dma_wait3A_694, %dma_wait3A_695] : memref<200x8x32x8x128xf32, #tpu.memory_space<hbm>> -> memref<1x1x1x8x128xf32, #tpu.memory_space<hbm>>
        %dma_wait3A_697 = tpu.memref_squeeze %dma_wait3A_696 : memref<1x1x1x8x128xf32, #tpu.memory_space<hbm>> -> memref<8x128xf32, #tpu.memory_space<hbm>>
        %dma_wait3A_698 = arith.constant 24 : i32
        %dma_wait3A_699 = arith.constant 0 : i32
        %dma_wait3A_700 = tpu.memref_slice %arg9[%dma_wait3A_698, %dma_wait3A_699] : memref<64x129xf32, #tpu.memory_space<vmem>> -> memref<8x128xf32, #tpu.memory_space<vmem>>
        tpu.wait_dma2 semaphore(%arg13 : memref<!tpu.dma_semaphore, #tpu.memory_space<semaphore_mem>>) src(%dma_wait3A_700 : memref<8x128xf32, #tpu.memory_space<vmem>>) dst(%dma_wait3A_697 : memref<8x128xf32, #tpu.memory_space<hbm>>)
        %dma_wait3A_701 = arith.constant 0 : i32
        %dma_wait3A_702 = arith.constant 0 : i32
        %dma_wait3A_703 = arith.constant 0 : i32
        %dma_wait3A_704 = arith.constant 32 : i32
        %dma_wait3A_705 = arith.constant 0 : i32
        %dma_wait3A_706 = tpu.memref_slice %arg9[%dma_wait3A_704, %dma_wait3A_705] : memref<64x129xf32, #tpu.memory_space<vmem>> -> memref<8x128xf32, #tpu.memory_space<vmem>>
        %dma_wait3A_707 = arith.constant 0 : i32
        %dma_wait3A_708 = arith.constant 0 : i32
        %dma_wait3A_709 = tpu.memref_slice %arg4[%dma_wait3A_701, %dma_wait3A_702, %dma_wait3A_703, %dma_wait3A_707, %dma_wait3A_708] : memref<200x8x32x8x128xf32, #tpu.memory_space<hbm>> -> memref<1x1x1x8x128xf32, #tpu.memory_space<hbm>>
        %dma_wait3A_710 = tpu.memref_squeeze %dma_wait3A_709 : memref<1x1x1x8x128xf32, #tpu.memory_space<hbm>> -> memref<8x128xf32, #tpu.memory_space<hbm>>
        %dma_wait3A_711 = arith.constant 0 : i32
        %dma_wait3A_712 = arith.constant 0 : i32
        %dma_wait3A_713 = tpu.memref_slice %arg4[%dma_wait3A_701, %dma_wait3A_702, %dma_wait3A_703, %dma_wait3A_711, %dma_wait3A_712] : memref<200x8x32x8x128xf32, #tpu.memory_space<hbm>> -> memref<1x1x1x8x128xf32, #tpu.memory_space<hbm>>
        %dma_wait3A_714 = tpu.memref_squeeze %dma_wait3A_713 : memref<1x1x1x8x128xf32, #tpu.memory_space<hbm>> -> memref<8x128xf32, #tpu.memory_space<hbm>>
        %dma_wait3A_715 = arith.constant 32 : i32
        %dma_wait3A_716 = arith.constant 0 : i32
        %dma_wait3A_717 = tpu.memref_slice %arg9[%dma_wait3A_715, %dma_wait3A_716] : memref<64x129xf32, #tpu.memory_space<vmem>> -> memref<8x128xf32, #tpu.memory_space<vmem>>
        tpu.wait_dma2 semaphore(%arg13 : memref<!tpu.dma_semaphore, #tpu.memory_space<semaphore_mem>>) src(%dma_wait3A_717 : memref<8x128xf32, #tpu.memory_space<vmem>>) dst(%dma_wait3A_714 : memref<8x128xf32, #tpu.memory_space<hbm>>)
        %dma_wait3A_718 = arith.constant 0 : i32
        %dma_wait3A_719 = arith.constant 0 : i32
        %dma_wait3A_720 = arith.constant 0 : i32
        %dma_wait3A_721 = arith.constant 40 : i32
        %dma_wait3A_722 = arith.constant 0 : i32
        %dma_wait3A_723 = tpu.memref_slice %arg9[%dma_wait3A_721, %dma_wait3A_722] : memref<64x129xf32, #tpu.memory_space<vmem>> -> memref<8x128xf32, #tpu.memory_space<vmem>>
        %dma_wait3A_724 = arith.constant 0 : i32
        %dma_wait3A_725 = arith.constant 0 : i32
        %dma_wait3A_726 = tpu.memref_slice %arg4[%dma_wait3A_718, %dma_wait3A_719, %dma_wait3A_720, %dma_wait3A_724, %dma_wait3A_725] : memref<200x8x32x8x128xf32, #tpu.memory_space<hbm>> -> memref<1x1x1x8x128xf32, #tpu.memory_space<hbm>>
        %dma_wait3A_727 = tpu.memref_squeeze %dma_wait3A_726 : memref<1x1x1x8x128xf32, #tpu.memory_space<hbm>> -> memref<8x128xf32, #tpu.memory_space<hbm>>
        %dma_wait3A_728 = arith.constant 0 : i32
        %dma_wait3A_729 = arith.constant 0 : i32
        %dma_wait3A_730 = tpu.memref_slice %arg4[%dma_wait3A_718, %dma_wait3A_719, %dma_wait3A_720, %dma_wait3A_728, %dma_wait3A_729] : memref<200x8x32x8x128xf32, #tpu.memory_space<hbm>> -> memref<1x1x1x8x128xf32, #tpu.memory_space<hbm>>
        %dma_wait3A_731 = tpu.memref_squeeze %dma_wait3A_730 : memref<1x1x1x8x128xf32, #tpu.memory_space<hbm>> -> memref<8x128xf32, #tpu.memory_space<hbm>>
        %dma_wait3A_732 = arith.constant 40 : i32
        %dma_wait3A_733 = arith.constant 0 : i32
        %dma_wait3A_734 = tpu.memref_slice %arg9[%dma_wait3A_732, %dma_wait3A_733] : memref<64x129xf32, #tpu.memory_space<vmem>> -> memref<8x128xf32, #tpu.memory_space<vmem>>
        tpu.wait_dma2 semaphore(%arg13 : memref<!tpu.dma_semaphore, #tpu.memory_space<semaphore_mem>>) src(%dma_wait3A_734 : memref<8x128xf32, #tpu.memory_space<vmem>>) dst(%dma_wait3A_731 : memref<8x128xf32, #tpu.memory_space<hbm>>)
        %dma_wait3A_735 = arith.constant 0 : i32
        %dma_wait3A_736 = arith.constant 0 : i32
        %dma_wait3A_737 = arith.constant 0 : i32
        %dma_wait3A_738 = arith.constant 48 : i32
        %dma_wait3A_739 = arith.constant 0 : i32
        %dma_wait3A_740 = tpu.memref_slice %arg9[%dma_wait3A_738, %dma_wait3A_739] : memref<64x129xf32, #tpu.memory_space<vmem>> -> memref<8x128xf32, #tpu.memory_space<vmem>>
        %dma_wait3A_741 = arith.constant 0 : i32
        %dma_wait3A_742 = arith.constant 0 : i32
        %dma_wait3A_743 = tpu.memref_slice %arg4[%dma_wait3A_735, %dma_wait3A_736, %dma_wait3A_737, %dma_wait3A_741, %dma_wait3A_742] : memref<200x8x32x8x128xf32, #tpu.memory_space<hbm>> -> memref<1x1x1x8x128xf32, #tpu.memory_space<hbm>>
        %dma_wait3A_744 = tpu.memref_squeeze %dma_wait3A_743 : memref<1x1x1x8x128xf32, #tpu.memory_space<hbm>> -> memref<8x128xf32, #tpu.memory_space<hbm>>
        %dma_wait3A_745 = arith.constant 0 : i32
        %dma_wait3A_746 = arith.constant 0 : i32
        %dma_wait3A_747 = tpu.memref_slice %arg4[%dma_wait3A_735, %dma_wait3A_736, %dma_wait3A_737, %dma_wait3A_745, %dma_wait3A_746] : memref<200x8x32x8x128xf32, #tpu.memory_space<hbm>> -> memref<1x1x1x8x128xf32, #tpu.memory_space<hbm>>
        %dma_wait3A_748 = tpu.memref_squeeze %dma_wait3A_747 : memref<1x1x1x8x128xf32, #tpu.memory_space<hbm>> -> memref<8x128xf32, #tpu.memory_space<hbm>>
        %dma_wait3A_749 = arith.constant 48 : i32
        %dma_wait3A_750 = arith.constant 0 : i32
        %dma_wait3A_751 = tpu.memref_slice %arg9[%dma_wait3A_749, %dma_wait3A_750] : memref<64x129xf32, #tpu.memory_space<vmem>> -> memref<8x128xf32, #tpu.memory_space<vmem>>
        tpu.wait_dma2 semaphore(%arg13 : memref<!tpu.dma_semaphore, #tpu.memory_space<semaphore_mem>>) src(%dma_wait3A_751 : memref<8x128xf32, #tpu.memory_space<vmem>>) dst(%dma_wait3A_748 : memref<8x128xf32, #tpu.memory_space<hbm>>)
        %dma_wait3A_752 = arith.constant 0 : i32
        %dma_wait3A_753 = arith.constant 0 : i32
        %dma_wait3A_754 = arith.constant 0 : i32
        %dma_wait3A_755 = arith.constant 56 : i32
        %dma_wait3A_756 = arith.constant 0 : i32
        %dma_wait3A_757 = tpu.memref_slice %arg9[%dma_wait3A_755, %dma_wait3A_756] : memref<64x129xf32, #tpu.memory_space<vmem>> -> memref<8x128xf32, #tpu.memory_space<vmem>>
        %dma_wait3A_758 = arith.constant 0 : i32
        %dma_wait3A_759 = arith.constant 0 : i32
        %dma_wait3A_760 = tpu.memref_slice %arg4[%dma_wait3A_752, %dma_wait3A_753, %dma_wait3A_754, %dma_wait3A_758, %dma_wait3A_759] : memref<200x8x32x8x128xf32, #tpu.memory_space<hbm>> -> memref<1x1x1x8x128xf32, #tpu.memory_space<hbm>>
        %dma_wait3A_761 = tpu.memref_squeeze %dma_wait3A_760 : memref<1x1x1x8x128xf32, #tpu.memory_space<hbm>> -> memref<8x128xf32, #tpu.memory_space<hbm>>
        %dma_wait3A_762 = arith.constant 0 : i32
        %dma_wait3A_763 = arith.constant 0 : i32
        %dma_wait3A_764 = tpu.memref_slice %arg4[%dma_wait3A_752, %dma_wait3A_753, %dma_wait3A_754, %dma_wait3A_762, %dma_wait3A_763] : memref<200x8x32x8x128xf32, #tpu.memory_space<hbm>> -> memref<1x1x1x8x128xf32, #tpu.memory_space<hbm>>
        %dma_wait3A_765 = tpu.memref_squeeze %dma_wait3A_764 : memref<1x1x1x8x128xf32, #tpu.memory_space<hbm>> -> memref<8x128xf32, #tpu.memory_space<hbm>>
        %dma_wait3A_766 = arith.constant 56 : i32
        %dma_wait3A_767 = arith.constant 0 : i32
        %dma_wait3A_768 = tpu.memref_slice %arg9[%dma_wait3A_766, %dma_wait3A_767] : memref<64x129xf32, #tpu.memory_space<vmem>> -> memref<8x128xf32, #tpu.memory_space<vmem>>
        tpu.wait_dma2 semaphore(%arg13 : memref<!tpu.dma_semaphore, #tpu.memory_space<semaphore_mem>>) src(%dma_wait3A_768 : memref<8x128xf32, #tpu.memory_space<vmem>>) dst(%dma_wait3A_765 : memref<8x128xf32, #tpu.memory_space<hbm>>)
      } else {
      }
      %dma_wait3A_468 = arith.constant 0 : i32
      %dma_wait3A_469 = arith.constant 0 : i32
      %dma_wait3A_470 = tpu.memref_slice %arg5[%dma_wait3A_468, %dma_wait3A_469] : memref<200x128xi32, #tpu.memory_space<vmem>> -> memref<1x128xi32, #tpu.memory_space<vmem>>
      %dma_wait3A_471 = tpu.memref_squeeze %dma_wait3A_470 : memref<1x128xi32, #tpu.memory_space<vmem>> -> memref<128xi32, #tpu.memory_space<vmem>>
      %dma_wait3A_472 = arith.constant 0 : i32
      %dma_wait3A_473 = arith.constant 0 : i32
      %dma_wait3A_474 = tpu.memref_slice %arg2[%dma_wait3A_472, %dma_wait3A_473] : memref<1000000x64xf32, #tpu.memory_space<hbm>> -> memref<1000000x64xf32, #tpu.memory_space<hbm>>
      tpu.wait_indirect_dma semaphore(%arg11 : memref<!tpu.dma_semaphore, #tpu.memory_space<semaphore_mem>>) src(%dma_wait3A_474 : memref<1000000x64xf32, #tpu.memory_space<hbm>>) dst(%arg7 : memref<128x64xf32, #tpu.memory_space<vmem>>)
      %parallel_loop3A_475 = arith.constant 0 : i32
      %parallel_loop3A_476 = arith.constant 128 : i32
      %parallel_loop3A_477 = arith.constant 1 : i32
      scf.for %parallel_loop3A_633 = %parallel_loop3A_475 to %parallel_loop3A_476 step %parallel_loop3A_477  : i32 {
        %parallel_loop3A_634 = vector.broadcast %parallel_loop3A_633 : i32 to vector<16xi32>
        %parallel_loop3A_635 = arith.addi %sub3A, %parallel_loop3A_634 : vector<16xi32>
        %parallel_loop3A_636 = arith.index_cast %parallel_loop3A_633 : i32 to index
        %parallel_loop3A_637 = arith.constant 0 : index
        %parallel_loop3A_638 = tpu.vector_load %arg7[%parallel_loop3A_636, %parallel_loop3A_637] {strides = array<i32>} : memref<128x64xf32, #tpu.memory_space<vmem>>, vector<16xf32>,
        tpu.vector_store_idx %arg9[%add3A_5, %parallel_loop3A_635], %parallel_loop3A_638 : memref<64x129xf32, #tpu.memory_space<vmem>>[vector<16xi32>, vector<16xi32>], vector<16xf32>,
        %parallel_loop3A_639 = arith.index_cast %parallel_loop3A_633 : i32 to index
        %parallel_loop3A_640 = arith.constant 16 : index
        %parallel_loop3A_641 = tpu.vector_load %arg7[%parallel_loop3A_639, %parallel_loop3A_640] {strides = array<i32>} : memref<128x64xf32, #tpu.memory_space<vmem>>, vector<16xf32>,
        tpu.vector_store_idx %arg9[%add3A_8, %parallel_loop3A_635], %parallel_loop3A_641 : memref<64x129xf32, #tpu.memory_space<vmem>>[vector<16xi32>, vector<16xi32>], vector<16xf32>,
        %parallel_loop3A_642 = arith.index_cast %parallel_loop3A_633 : i32 to index
        %parallel_loop3A_643 = arith.constant 32 : index
        %parallel_loop3A_644 = tpu.vector_load %arg7[%parallel_loop3A_642, %parallel_loop3A_643] {strides = array<i32>} : memref<128x64xf32, #tpu.memory_space<vmem>>, vector<16xf32>,
        tpu.vector_store_idx %arg9[%add3A_11, %parallel_loop3A_635], %parallel_loop3A_644 : memref<64x129xf32, #tpu.memory_space<vmem>>[vector<16xi32>, vector<16xi32>], vector<16xf32>,
        %parallel_loop3A_645 = arith.index_cast %parallel_loop3A_633 : i32 to index
        %parallel_loop3A_646 = arith.constant 48 : index
        %parallel_loop3A_647 = tpu.vector_load %arg7[%parallel_loop3A_645, %parallel_loop3A_646] {strides = array<i32>} : memref<128x64xf32, #tpu.memory_space<vmem>>, vector<16xf32>,
        tpu.vector_store_idx %arg9[%add3A_14, %parallel_loop3A_635], %parallel_loop3A_647 : memref<64x129xf32, #tpu.memory_space<vmem>>[vector<16xi32>, vector<16xi32>], vector<16xf32>,
      } {sc.loop_unroll_factor = 4 : i64, sc.parallel_access}
      %lt3A_478 = arith.constant 99 : i32
      %lt3A_479 = arith.cmpi slt, %scan3A_304, %lt3A_478 : i32
      %convert_element_type3A_480 = arith.extui %lt3A_479 : i1 to i32
      %cond3A_481 = arith.constant 0 : i32
      %cond3A_482 = arith.cmpi ne, %convert_element_type3A_480, %cond3A_481 : i32
      scf.if %cond3A_482 {
        %add3A_633 = arith.constant 3 : i32
        %add3A_634 = arith.addi %mul3A_306, %add3A_633 : i32
        %dma_start3A_635 = arith.constant 0 : i32
        %dma_start3A_636 = tpu.memref_slice %arg5[%add3A_634, %dma_start3A_635] : memref<200x128xi32, #tpu.memory_space<vmem>> -> memref<1x128xi32, #tpu.memory_space<vmem>>
        %dma_start3A_637 = tpu.memref_squeeze %dma_start3A_636 : memref<1x128xi32, #tpu.memory_space<vmem>> -> memref<128xi32, #tpu.memory_space<vmem>>
        %dma_start3A_638 = arith.constant 0 : i32
        %dma_start3A_639 = arith.constant 0 : i32
        %dma_start3A_640 = tpu.memref_slice %arg2[%dma_start3A_638, %dma_start3A_639] : memref<1000000x64xf32, #tpu.memory_space<hbm>> -> memref<1000000x64xf32, #tpu.memory_space<hbm>>
        tpu.enqueue_indirect_dma source(%dma_start3A_640 : memref<1000000x64xf32, #tpu.memory_space<hbm>>) target(%arg7 : memref<128x64xf32, #tpu.memory_space<vmem>>) offsets(%dma_start3A_637 : memref<128xi32, #tpu.memory_space<vmem>>) semaphore(%arg11 : memref<!tpu.dma_semaphore, #tpu.memory_space<semaphore_mem>>)
      } else {
      }
      %add3A_483 = arith.constant 1 : i32
      %add3A_484 = arith.addi %mul3A_306, %add3A_483 : i32
      %add3A_485 = arith.addi %mul3A_2, %add3A_484 : i32
      %jit3A_486 = arith.constant 32 : i32
      %div3A_487 = arith.divsi %add3A_485, %jit3A_486 : i32
      %sign3A_488 = arith.constant 0 : i32
      %sign3A_489 = arith.cmpi sgt, %add3A_485, %sign3A_488 : i32
      %sign3A_490 = arith.extui %sign3A_489 : i1 to i32
      %sign3A_491 = arith.constant 0 : i32
      %sign3A_492 = arith.cmpi slt, %add3A_485, %sign3A_491 : i32
      %sign3A_493 = arith.extui %sign3A_492 : i1 to i32
      %sign3A_494 = arith.subi %sign3A_490, %sign3A_493 : i32
      %sign3A_495 = arith.constant 0 : i32
      %sign3A_496 = arith.cmpi sgt, %jit3A_486, %sign3A_495 : i32
      %sign3A_497 = arith.extui %sign3A_496 : i1 to i32
      %sign3A_498 = arith.constant 0 : i32
      %sign3A_499 = arith.cmpi slt, %jit3A_486, %sign3A_498 : i32
      %sign3A_500 = arith.extui %sign3A_499 : i1 to i32
      %sign3A_501 = arith.subi %sign3A_497, %sign3A_500 : i32
      %ne3A_502 = arith.cmpi ne, %sign3A_494, %sign3A_501 : i32
      %rem3A_503 = arith.remsi %add3A_485, %jit3A_486 : i32
      %ne3A_504 = arith.constant 0 : i32
      %ne3A_505 = arith.cmpi ne, %rem3A_503, %ne3A_504 : i32
      %and3A_506 = arith.andi %ne3A_502, %ne3A_505 : i1
      %sub3A_507 = arith.constant 1 : i32
      %sub3A_508 = arith.subi %div3A_487, %sub3A_507 : i32
      %select_n3A_509 = arith.select %and3A_506, %sub3A_508, %div3A_487 : i32
      %mul3A_510 = arith.constant 32 : i32
      %mul3A_511 = arith.muli %select_n3A_509, %mul3A_510 : i32
      %sub3A_512 = arith.subi %add3A_485, %mul3A_511 : i32
      %dma_start3A_513 = arith.constant 0 : i32
      %dma_start3A_514 = arith.constant 0 : i32
      %dma_start3A_515 = arith.constant 0 : i32
      %dma_start3A_516 = tpu.memref_slice %arg9[%dma_start3A_514, %dma_start3A_515] : memref<64x129xf32, #tpu.memory_space<vmem>> -> memref<8x128xf32, #tpu.memory_space<vmem>>
      %dma_start3A_517 = arith.constant 0 : i32
      %dma_start3A_518 = arith.constant 0 : i32
      %dma_start3A_519 = tpu.memref_slice %arg4[%select_n3A_509, %dma_start3A_513, %sub3A_512, %dma_start3A_517, %dma_start3A_518] : memref<200x8x32x8x128xf32, #tpu.memory_space<hbm>> -> memref<1x1x1x8x128xf32, #tpu.memory_space<hbm>>
      %dma_start3A_520 = tpu.memref_squeeze %dma_start3A_519 : memref<1x1x1x8x128xf32, #tpu.memory_space<hbm>> -> memref<8x128xf32, #tpu.memory_space<hbm>>
      %dma_start3A_521 = arith.constant 0 : i32
      %dma_start3A_522 = arith.constant 0 : i32
      %dma_start3A_523 = tpu.memref_slice %arg4[%select_n3A_509, %dma_start3A_513, %sub3A_512, %dma_start3A_521, %dma_start3A_522] : memref<200x8x32x8x128xf32, #tpu.memory_space<hbm>> -> memref<1x1x1x8x128xf32, #tpu.memory_space<hbm>>
      %dma_start3A_524 = tpu.memref_squeeze %dma_start3A_523 : memref<1x1x1x8x128xf32, #tpu.memory_space<hbm>> -> memref<8x128xf32, #tpu.memory_space<hbm>>
      %dma_start3A_525 = arith.constant 0 : i32
      %dma_start3A_526 = arith.constant 0 : i32
      %dma_start3A_527 = tpu.memref_slice %arg9[%dma_start3A_525, %dma_start3A_526] : memref<64x129xf32, #tpu.memory_space<vmem>> -> memref<8x128xf32, #tpu.memory_space<vmem>>
      tpu.enqueue_dma source(%dma_start3A_527 : memref<8x128xf32, #tpu.memory_space<vmem>>) target(%dma_start3A_524 : memref<8x128xf32, #tpu.memory_space<hbm>>) target_semaphore(%arg13 : memref<!tpu.dma_semaphore, #tpu.memory_space<semaphore_mem>>)
      %dma_start3A_528 = arith.constant 1 : i32
      %dma_start3A_529 = arith.constant 8 : i32
      %dma_start3A_530 = arith.constant 0 : i32
      %dma_start3A_531 = tpu.memref_slice %arg9[%dma_start3A_529, %dma_start3A_530] : memref<64x129xf32, #tpu.memory_space<vmem>> -> memref<8x128xf32, #tpu.memory_space<vmem>>
      %dma_start3A_532 = arith.constant 0 : i32
      %dma_start3A_533 = arith.constant 0 : i32
      %dma_start3A_534 = tpu.memref_slice %arg4[%select_n3A_509, %dma_start3A_528, %sub3A_512, %dma_start3A_532, %dma_start3A_533] : memref<200x8x32x8x128xf32, #tpu.memory_space<hbm>> -> memref<1x1x1x8x128xf32, #tpu.memory_space<hbm>>
      %dma_start3A_535 = tpu.memref_squeeze %dma_start3A_534 : memref<1x1x1x8x128xf32, #tpu.memory_space<hbm>> -> memref<8x128xf32, #tpu.memory_space<hbm>>
      %dma_start3A_536 = arith.constant 0 : i32
      %dma_start3A_537 = arith.constant 0 : i32
      %dma_start3A_538 = tpu.memref_slice %arg4[%select_n3A_509, %dma_start3A_528, %sub3A_512, %dma_start3A_536, %dma_start3A_537] : memref<200x8x32x8x128xf32, #tpu.memory_space<hbm>> -> memref<1x1x1x8x128xf32, #tpu.memory_space<hbm>>
      %dma_start3A_539 = tpu.memref_squeeze %dma_start3A_538 : memref<1x1x1x8x128xf32, #tpu.memory_space<hbm>> -> memref<8x128xf32, #tpu.memory_space<hbm>>
      %dma_start3A_540 = arith.constant 8 : i32
      %dma_start3A_541 = arith.constant 0 : i32
      %dma_start3A_542 = tpu.memref_slice %arg9[%dma_start3A_540, %dma_start3A_541] : memref<64x129xf32, #tpu.memory_space<vmem>> -> memref<8x128xf32, #tpu.memory_space<vmem>>
      tpu.enqueue_dma source(%dma_start3A_542 : memref<8x128xf32, #tpu.memory_space<vmem>>) target(%dma_start3A_539 : memref<8x128xf32, #tpu.memory_space<hbm>>) target_semaphore(%arg13 : memref<!tpu.dma_semaphore, #tpu.memory_space<semaphore_mem>>)
      %dma_start3A_543 = arith.constant 2 : i32
      %dma_start3A_544 = arith.constant 16 : i32
      %dma_start3A_545 = arith.constant 0 : i32
      %dma_start3A_546 = tpu.memref_slice %arg9[%dma_start3A_544, %dma_start3A_545] : memref<64x129xf32, #tpu.memory_space<vmem>> -> memref<8x128xf32, #tpu.memory_space<vmem>>
      %dma_start3A_547 = arith.constant 0 : i32
      %dma_start3A_548 = arith.constant 0 : i32
      %dma_start3A_549 = tpu.memref_slice %arg4[%select_n3A_509, %dma_start3A_543, %sub3A_512, %dma_start3A_547, %dma_start3A_548] : memref<200x8x32x8x128xf32, #tpu.memory_space<hbm>> -> memref<1x1x1x8x128xf32, #tpu.memory_space<hbm>>
      %dma_start3A_550 = tpu.memref_squeeze %dma_start3A_549 : memref<1x1x1x8x128xf32, #tpu.memory_space<hbm>> -> memref<8x128xf32, #tpu.memory_space<hbm>>
      %dma_start3A_551 = arith.constant 0 : i32
      %dma_start3A_552 = arith.constant 0 : i32
      %dma_start3A_553 = tpu.memref_slice %arg4[%select_n3A_509, %dma_start3A_543, %sub3A_512, %dma_start3A_551, %dma_start3A_552] : memref<200x8x32x8x128xf32, #tpu.memory_space<hbm>> -> memref<1x1x1x8x128xf32, #tpu.memory_space<hbm>>
      %dma_start3A_554 = tpu.memref_squeeze %dma_start3A_553 : memref<1x1x1x8x128xf32, #tpu.memory_space<hbm>> -> memref<8x128xf32, #tpu.memory_space<hbm>>
      %dma_start3A_555 = arith.constant 16 : i32
      %dma_start3A_556 = arith.constant 0 : i32
      %dma_start3A_557 = tpu.memref_slice %arg9[%dma_start3A_555, %dma_start3A_556] : memref<64x129xf32, #tpu.memory_space<vmem>> -> memref<8x128xf32, #tpu.memory_space<vmem>>
      tpu.enqueue_dma source(%dma_start3A_557 : memref<8x128xf32, #tpu.memory_space<vmem>>) target(%dma_start3A_554 : memref<8x128xf32, #tpu.memory_space<hbm>>) target_semaphore(%arg13 : memref<!tpu.dma_semaphore, #tpu.memory_space<semaphore_mem>>)
      %dma_start3A_558 = arith.constant 3 : i32
      %dma_start3A_559 = arith.constant 24 : i32
      %dma_start3A_560 = arith.constant 0 : i32
      %dma_start3A_561 = tpu.memref_slice %arg9[%dma_start3A_559, %dma_start3A_560] : memref<64x129xf32, #tpu.memory_space<vmem>> -> memref<8x128xf32, #tpu.memory_space<vmem>>
      %dma_start3A_562 = arith.constant 0 : i32
      %dma_start3A_563 = arith.constant 0 : i32
      %dma_start3A_564 = tpu.memref_slice %arg4[%select_n3A_509, %dma_start3A_558, %sub3A_512, %dma_start3A_562, %dma_start3A_563] : memref<200x8x32x8x128xf32, #tpu.memory_space<hbm>> -> memref<1x1x1x8x128xf32, #tpu.memory_space<hbm>>
      %dma_start3A_565 = tpu.memref_squeeze %dma_start3A_564 : memref<1x1x1x8x128xf32, #tpu.memory_space<hbm>> -> memref<8x128xf32, #tpu.memory_space<hbm>>
      %dma_start3A_566 = arith.constant 0 : i32
      %dma_start3A_567 = arith.constant 0 : i32
      %dma_start3A_568 = tpu.memref_slice %arg4[%select_n3A_509, %dma_start3A_558, %sub3A_512, %dma_start3A_566, %dma_start3A_567] : memref<200x8x32x8x128xf32, #tpu.memory_space<hbm>> -> memref<1x1x1x8x128xf32, #tpu.memory_space<hbm>>
      %dma_start3A_569 = tpu.memref_squeeze %dma_start3A_568 : memref<1x1x1x8x128xf32, #tpu.memory_space<hbm>> -> memref<8x128xf32, #tpu.memory_space<hbm>>
      %dma_start3A_570 = arith.constant 24 : i32
      %dma_start3A_571 = arith.constant 0 : i32
      %dma_start3A_572 = tpu.memref_slice %arg9[%dma_start3A_570, %dma_start3A_571] : memref<64x129xf32, #tpu.memory_space<vmem>> -> memref<8x128xf32, #tpu.memory_space<vmem>>
      tpu.enqueue_dma source(%dma_start3A_572 : memref<8x128xf32, #tpu.memory_space<vmem>>) target(%dma_start3A_569 : memref<8x128xf32, #tpu.memory_space<hbm>>) target_semaphore(%arg13 : memref<!tpu.dma_semaphore, #tpu.memory_space<semaphore_mem>>)
      %dma_start3A_573 = arith.constant 4 : i32
      %dma_start3A_574 = arith.constant 32 : i32
      %dma_start3A_575 = arith.constant 0 : i32
      %dma_start3A_576 = tpu.memref_slice %arg9[%dma_start3A_574, %dma_start3A_575] : memref<64x129xf32, #tpu.memory_space<vmem>> -> memref<8x128xf32, #tpu.memory_space<vmem>>
      %dma_start3A_577 = arith.constant 0 : i32
      %dma_start3A_578 = arith.constant 0 : i32
      %dma_start3A_579 = tpu.memref_slice %arg4[%select_n3A_509, %dma_start3A_573, %sub3A_512, %dma_start3A_577, %dma_start3A_578] : memref<200x8x32x8x128xf32, #tpu.memory_space<hbm>> -> memref<1x1x1x8x128xf32, #tpu.memory_space<hbm>>
      %dma_start3A_580 = tpu.memref_squeeze %dma_start3A_579 : memref<1x1x1x8x128xf32, #tpu.memory_space<hbm>> -> memref<8x128xf32, #tpu.memory_space<hbm>>
      %dma_start3A_581 = arith.constant 0 : i32
      %dma_start3A_582 = arith.constant 0 : i32
      %dma_start3A_583 = tpu.memref_slice %arg4[%select_n3A_509, %dma_start3A_573, %sub3A_512, %dma_start3A_581, %dma_start3A_582] : memref<200x8x32x8x128xf32, #tpu.memory_space<hbm>> -> memref<1x1x1x8x128xf32, #tpu.memory_space<hbm>>
      %dma_start3A_584 = tpu.memref_squeeze %dma_start3A_583 : memref<1x1x1x8x128xf32, #tpu.memory_space<hbm>> -> memref<8x128xf32, #tpu.memory_space<hbm>>
      %dma_start3A_585 = arith.constant 32 : i32
      %dma_start3A_586 = arith.constant 0 : i32
      %dma_start3A_587 = tpu.memref_slice %arg9[%dma_start3A_585, %dma_start3A_586] : memref<64x129xf32, #tpu.memory_space<vmem>> -> memref<8x128xf32, #tpu.memory_space<vmem>>
      tpu.enqueue_dma source(%dma_start3A_587 : memref<8x128xf32, #tpu.memory_space<vmem>>) target(%dma_start3A_584 : memref<8x128xf32, #tpu.memory_space<hbm>>) target_semaphore(%arg13 : memref<!tpu.dma_semaphore, #tpu.memory_space<semaphore_mem>>)
      %dma_start3A_588 = arith.constant 5 : i32
      %dma_start3A_589 = arith.constant 40 : i32
      %dma_start3A_590 = arith.constant 0 : i32
      %dma_start3A_591 = tpu.memref_slice %arg9[%dma_start3A_589, %dma_start3A_590] : memref<64x129xf32, #tpu.memory_space<vmem>> -> memref<8x128xf32, #tpu.memory_space<vmem>>
      %dma_start3A_592 = arith.constant 0 : i32
      %dma_start3A_593 = arith.constant 0 : i32
      %dma_start3A_594 = tpu.memref_slice %arg4[%select_n3A_509, %dma_start3A_588, %sub3A_512, %dma_start3A_592, %dma_start3A_593] : memref<200x8x32x8x128xf32, #tpu.memory_space<hbm>> -> memref<1x1x1x8x128xf32, #tpu.memory_space<hbm>>
      %dma_start3A_595 = tpu.memref_squeeze %dma_start3A_594 : memref<1x1x1x8x128xf32, #tpu.memory_space<hbm>> -> memref<8x128xf32, #tpu.memory_space<hbm>>
      %dma_start3A_596 = arith.constant 0 : i32
      %dma_start3A_597 = arith.constant 0 : i32
      %dma_start3A_598 = tpu.memref_slice %arg4[%select_n3A_509, %dma_start3A_588, %sub3A_512, %dma_start3A_596, %dma_start3A_597] : memref<200x8x32x8x128xf32, #tpu.memory_space<hbm>> -> memref<1x1x1x8x128xf32, #tpu.memory_space<hbm>>
      %dma_start3A_599 = tpu.memref_squeeze %dma_start3A_598 : memref<1x1x1x8x128xf32, #tpu.memory_space<hbm>> -> memref<8x128xf32, #tpu.memory_space<hbm>>
      %dma_start3A_600 = arith.constant 40 : i32
      %dma_start3A_601 = arith.constant 0 : i32
      %dma_start3A_602 = tpu.memref_slice %arg9[%dma_start3A_600, %dma_start3A_601] : memref<64x129xf32, #tpu.memory_space<vmem>> -> memref<8x128xf32, #tpu.memory_space<vmem>>
      tpu.enqueue_dma source(%dma_start3A_602 : memref<8x128xf32, #tpu.memory_space<vmem>>) target(%dma_start3A_599 : memref<8x128xf32, #tpu.memory_space<hbm>>) target_semaphore(%arg13 : memref<!tpu.dma_semaphore, #tpu.memory_space<semaphore_mem>>)
      %dma_start3A_603 = arith.constant 6 : i32
      %dma_start3A_604 = arith.constant 48 : i32
      %dma_start3A_605 = arith.constant 0 : i32
      %dma_start3A_606 = tpu.memref_slice %arg9[%dma_start3A_604, %dma_start3A_605] : memref<64x129xf32, #tpu.memory_space<vmem>> -> memref<8x128xf32, #tpu.memory_space<vmem>>
      %dma_start3A_607 = arith.constant 0 : i32
      %dma_start3A_608 = arith.constant 0 : i32
      %dma_start3A_609 = tpu.memref_slice %arg4[%select_n3A_509, %dma_start3A_603, %sub3A_512, %dma_start3A_607, %dma_start3A_608] : memref<200x8x32x8x128xf32, #tpu.memory_space<hbm>> -> memref<1x1x1x8x128xf32, #tpu.memory_space<hbm>>
      %dma_start3A_610 = tpu.memref_squeeze %dma_start3A_609 : memref<1x1x1x8x128xf32, #tpu.memory_space<hbm>> -> memref<8x128xf32, #tpu.memory_space<hbm>>
      %dma_start3A_611 = arith.constant 0 : i32
      %dma_start3A_612 = arith.constant 0 : i32
      %dma_start3A_613 = tpu.memref_slice %arg4[%select_n3A_509, %dma_start3A_603, %sub3A_512, %dma_start3A_611, %dma_start3A_612] : memref<200x8x32x8x128xf32, #tpu.memory_space<hbm>> -> memref<1x1x1x8x128xf32, #tpu.memory_space<hbm>>
      %dma_start3A_614 = tpu.memref_squeeze %dma_start3A_613 : memref<1x1x1x8x128xf32, #tpu.memory_space<hbm>> -> memref<8x128xf32, #tpu.memory_space<hbm>>
      %dma_start3A_615 = arith.constant 48 : i32
      %dma_start3A_616 = arith.constant 0 : i32
      %dma_start3A_617 = tpu.memref_slice %arg9[%dma_start3A_615, %dma_start3A_616] : memref<64x129xf32, #tpu.memory_space<vmem>> -> memref<8x128xf32, #tpu.memory_space<vmem>>
      tpu.enqueue_dma source(%dma_start3A_617 : memref<8x128xf32, #tpu.memory_space<vmem>>) target(%dma_start3A_614 : memref<8x128xf32, #tpu.memory_space<hbm>>) target_semaphore(%arg13 : memref<!tpu.dma_semaphore, #tpu.memory_space<semaphore_mem>>)
      %dma_start3A_618 = arith.constant 7 : i32
      %dma_start3A_619 = arith.constant 56 : i32
      %dma_start3A_620 = arith.constant 0 : i32
      %dma_start3A_621 = tpu.memref_slice %arg9[%dma_start3A_619, %dma_start3A_620] : memref<64x129xf32, #tpu.memory_space<vmem>> -> memref<8x128xf32, #tpu.memory_space<vmem>>
      %dma_start3A_622 = arith.constant 0 : i32
      %dma_start3A_623 = arith.constant 0 : i32
      %dma_start3A_624 = tpu.memref_slice %arg4[%select_n3A_509, %dma_start3A_618, %sub3A_512, %dma_start3A_622, %dma_start3A_623] : memref<200x8x32x8x128xf32, #tpu.memory_space<hbm>> -> memref<1x1x1x8x128xf32, #tpu.memory_space<hbm>>
      %dma_start3A_625 = tpu.memref_squeeze %dma_start3A_624 : memref<1x1x1x8x128xf32, #tpu.memory_space<hbm>> -> memref<8x128xf32, #tpu.memory_space<hbm>>
      %dma_start3A_626 = arith.constant 0 : i32
      %dma_start3A_627 = arith.constant 0 : i32
      %dma_start3A_628 = tpu.memref_slice %arg4[%select_n3A_509, %dma_start3A_618, %sub3A_512, %dma_start3A_626, %dma_start3A_627] : memref<200x8x32x8x128xf32, #tpu.memory_space<hbm>> -> memref<1x1x1x8x128xf32, #tpu.memory_space<hbm>>
      %dma_start3A_629 = tpu.memref_squeeze %dma_start3A_628 : memref<1x1x1x8x128xf32, #tpu.memory_space<hbm>> -> memref<8x128xf32, #tpu.memory_space<hbm>>
      %dma_start3A_630 = arith.constant 56 : i32
      %dma_start3A_631 = arith.constant 0 : i32
      %dma_start3A_632 = tpu.memref_slice %arg9[%dma_start3A_630, %dma_start3A_631] : memref<64x129xf32, #tpu.memory_space<vmem>> -> memref<8x128xf32, #tpu.memory_space<vmem>>
      tpu.enqueue_dma source(%dma_start3A_632 : memref<8x128xf32, #tpu.memory_space<vmem>>) target(%dma_start3A_629 : memref<8x128xf32, #tpu.memory_space<hbm>>) target_semaphore(%arg13 : memref<!tpu.dma_semaphore, #tpu.memory_space<semaphore_mem>>)
    }
    %scan3A_32 = arith.constant 100 : i32
    %dma_wait3A = arith.constant 0 : i32
    %dma_wait3A_33 = arith.constant 0 : i32
    %dma_wait3A_34 = arith.constant 0 : i32
    %dma_wait3A_35 = arith.constant 0 : i32
    %dma_wait3A_36 = arith.constant 0 : i32
    %dma_wait3A_37 = tpu.memref_slice %arg8[%dma_wait3A_35, %dma_wait3A_36] : memref<64x129xf32, #tpu.memory_space<vmem>> -> memref<8x128xf32, #tpu.memory_space<vmem>>
    %dma_wait3A_38 = arith.constant 0 : i32
    %dma_wait3A_39 = arith.constant 0 : i32
    %dma_wait3A_40 = tpu.memref_slice %arg4[%dma_wait3A, %dma_wait3A_33, %dma_wait3A_34, %dma_wait3A_38, %dma_wait3A_39] : memref<200x8x32x8x128xf32, #tpu.memory_space<hbm>> -> memref<1x1x1x8x128xf32, #tpu.memory_space<hbm>>
    %dma_wait3A_41 = tpu.memref_squeeze %dma_wait3A_40 : memref<1x1x1x8x128xf32, #tpu.memory_space<hbm>> -> memref<8x128xf32, #tpu.memory_space<hbm>>
    %dma_wait3A_42 = arith.constant 0 : i32
    %dma_wait3A_43 = arith.constant 0 : i32
    %dma_wait3A_44 = tpu.memref_slice %arg4[%dma_wait3A, %dma_wait3A_33, %dma_wait3A_34, %dma_wait3A_42, %dma_wait3A_43] : memref<200x8x32x8x128xf32, #tpu.memory_space<hbm>> -> memref<1x1x1x8x128xf32, #tpu.memory_space<hbm>>
    %dma_wait3A_45 = tpu.memref_squeeze %dma_wait3A_44 : memref<1x1x1x8x128xf32, #tpu.memory_space<hbm>> -> memref<8x128xf32, #tpu.memory_space<hbm>>
    %dma_wait3A_46 = arith.constant 0 : i32
    %dma_wait3A_47 = arith.constant 0 : i32
    %dma_wait3A_48 = tpu.memref_slice %arg8[%dma_wait3A_46, %dma_wait3A_47] : memref<64x129xf32, #tpu.memory_space<vmem>> -> memref<8x128xf32, #tpu.memory_space<vmem>>
    tpu.wait_dma2 semaphore(%arg12 : memref<!tpu.dma_semaphore, #tpu.memory_space<semaphore_mem>>) src(%dma_wait3A_48 : memref<8x128xf32, #tpu.memory_space<vmem>>) dst(%dma_wait3A_45 : memref<8x128xf32, #tpu.memory_space<hbm>>)
    %dma_wait3A_49 = arith.constant 0 : i32
    %dma_wait3A_50 = arith.constant 0 : i32
    %dma_wait3A_51 = arith.constant 0 : i32
    %dma_wait3A_52 = arith.constant 8 : i32
    %dma_wait3A_53 = arith.constant 0 : i32
    %dma_wait3A_54 = tpu.memref_slice %arg8[%dma_wait3A_52, %dma_wait3A_53] : memref<64x129xf32, #tpu.memory_space<vmem>> -> memref<8x128xf32, #tpu.memory_space<vmem>>
    %dma_wait3A_55 = arith.constant 0 : i32
    %dma_wait3A_56 = arith.constant 0 : i32
    %dma_wait3A_57 = tpu.memref_slice %arg4[%dma_wait3A_49, %dma_wait3A_50, %dma_wait3A_51, %dma_wait3A_55, %dma_wait3A_56] : memref<200x8x32x8x128xf32, #tpu.memory_space<hbm>> -> memref<1x1x1x8x128xf32, #tpu.memory_space<hbm>>
    %dma_wait3A_58 = tpu.memref_squeeze %dma_wait3A_57 : memref<1x1x1x8x128xf32, #tpu.memory_space<hbm>> -> memref<8x128xf32, #tpu.memory_space<hbm>>
    %dma_wait3A_59 = arith.constant 0 : i32
    %dma_wait3A_60 = arith.constant 0 : i32
    %dma_wait3A_61 = tpu.memref_slice %arg4[%dma_wait3A_49, %dma_wait3A_50, %dma_wait3A_51, %dma_wait3A_59, %dma_wait3A_60] : memref<200x8x32x8x128xf32, #tpu.memory_space<hbm>> -> memref<1x1x1x8x128xf32, #tpu.memory_space<hbm>>
    %dma_wait3A_62 = tpu.memref_squeeze %dma_wait3A_61 : memref<1x1x1x8x128xf32, #tpu.memory_space<hbm>> -> memref<8x128xf32, #tpu.memory_space<hbm>>
    %dma_wait3A_63 = arith.constant 8 : i32
    %dma_wait3A_64 = arith.constant 0 : i32
    %dma_wait3A_65 = tpu.memref_slice %arg8[%dma_wait3A_63, %dma_wait3A_64] : memref<64x129xf32, #tpu.memory_space<vmem>> -> memref<8x128xf32, #tpu.memory_space<vmem>>
    tpu.wait_dma2 semaphore(%arg12 : memref<!tpu.dma_semaphore, #tpu.memory_space<semaphore_mem>>) src(%dma_wait3A_65 : memref<8x128xf32, #tpu.memory_space<vmem>>) dst(%dma_wait3A_62 : memref<8x128xf32, #tpu.memory_space<hbm>>)
    %dma_wait3A_66 = arith.constant 0 : i32
    %dma_wait3A_67 = arith.constant 0 : i32
    %dma_wait3A_68 = arith.constant 0 : i32
    %dma_wait3A_69 = arith.constant 16 : i32
    %dma_wait3A_70 = arith.constant 0 : i32
    %dma_wait3A_71 = tpu.memref_slice %arg8[%dma_wait3A_69, %dma_wait3A_70] : memref<64x129xf32, #tpu.memory_space<vmem>> -> memref<8x128xf32, #tpu.memory_space<vmem>>
    %dma_wait3A_72 = arith.constant 0 : i32
    %dma_wait3A_73 = arith.constant 0 : i32
    %dma_wait3A_74 = tpu.memref_slice %arg4[%dma_wait3A_66, %dma_wait3A_67, %dma_wait3A_68, %dma_wait3A_72, %dma_wait3A_73] : memref<200x8x32x8x128xf32, #tpu.memory_space<hbm>> -> memref<1x1x1x8x128xf32, #tpu.memory_space<hbm>>
    %dma_wait3A_75 = tpu.memref_squeeze %dma_wait3A_74 : memref<1x1x1x8x128xf32, #tpu.memory_space<hbm>> -> memref<8x128xf32, #tpu.memory_space<hbm>>
    %dma_wait3A_76 = arith.constant 0 : i32
    %dma_wait3A_77 = arith.constant 0 : i32
    %dma_wait3A_78 = tpu.memref_slice %arg4[%dma_wait3A_66, %dma_wait3A_67, %dma_wait3A_68, %dma_wait3A_76, %dma_wait3A_77] : memref<200x8x32x8x128xf32, #tpu.memory_space<hbm>> -> memref<1x1x1x8x128xf32, #tpu.memory_space<hbm>>
    %dma_wait3A_79 = tpu.memref_squeeze %dma_wait3A_78 : memref<1x1x1x8x128xf32, #tpu.memory_space<hbm>> -> memref<8x128xf32, #tpu.memory_space<hbm>>
    %dma_wait3A_80 = arith.constant 16 : i32
    %dma_wait3A_81 = arith.constant 0 : i32
    %dma_wait3A_82 = tpu.memref_slice %arg8[%dma_wait3A_80, %dma_wait3A_81] : memref<64x129xf32, #tpu.memory_space<vmem>> -> memref<8x128xf32, #tpu.memory_space<vmem>>
    tpu.wait_dma2 semaphore(%arg12 : memref<!tpu.dma_semaphore, #tpu.memory_space<semaphore_mem>>) src(%dma_wait3A_82 : memref<8x128xf32, #tpu.memory_space<vmem>>) dst(%dma_wait3A_79 : memref<8x128xf32, #tpu.memory_space<hbm>>)
    %dma_wait3A_83 = arith.constant 0 : i32
    %dma_wait3A_84 = arith.constant 0 : i32
    %dma_wait3A_85 = arith.constant 0 : i32
    %dma_wait3A_86 = arith.constant 24 : i32
    %dma_wait3A_87 = arith.constant 0 : i32
    %dma_wait3A_88 = tpu.memref_slice %arg8[%dma_wait3A_86, %dma_wait3A_87] : memref<64x129xf32, #tpu.memory_space<vmem>> -> memref<8x128xf32, #tpu.memory_space<vmem>>
    %dma_wait3A_89 = arith.constant 0 : i32
    %dma_wait3A_90 = arith.constant 0 : i32
    %dma_wait3A_91 = tpu.memref_slice %arg4[%dma_wait3A_83, %dma_wait3A_84, %dma_wait3A_85, %dma_wait3A_89, %dma_wait3A_90] : memref<200x8x32x8x128xf32, #tpu.memory_space<hbm>> -> memref<1x1x1x8x128xf32, #tpu.memory_space<hbm>>
    %dma_wait3A_92 = tpu.memref_squeeze %dma_wait3A_91 : memref<1x1x1x8x128xf32, #tpu.memory_space<hbm>> -> memref<8x128xf32, #tpu.memory_space<hbm>>
    %dma_wait3A_93 = arith.constant 0 : i32
    %dma_wait3A_94 = arith.constant 0 : i32
    %dma_wait3A_95 = tpu.memref_slice %arg4[%dma_wait3A_83, %dma_wait3A_84, %dma_wait3A_85, %dma_wait3A_93, %dma_wait3A_94] : memref<200x8x32x8x128xf32, #tpu.memory_space<hbm>> -> memref<1x1x1x8x128xf32, #tpu.memory_space<hbm>>
    %dma_wait3A_96 = tpu.memref_squeeze %dma_wait3A_95 : memref<1x1x1x8x128xf32, #tpu.memory_space<hbm>> -> memref<8x128xf32, #tpu.memory_space<hbm>>
    %dma_wait3A_97 = arith.constant 24 : i32
    %dma_wait3A_98 = arith.constant 0 : i32
    %dma_wait3A_99 = tpu.memref_slice %arg8[%dma_wait3A_97, %dma_wait3A_98] : memref<64x129xf32, #tpu.memory_space<vmem>> -> memref<8x128xf32, #tpu.memory_space<vmem>>
    tpu.wait_dma2 semaphore(%arg12 : memref<!tpu.dma_semaphore, #tpu.memory_space<semaphore_mem>>) src(%dma_wait3A_99 : memref<8x128xf32, #tpu.memory_space<vmem>>) dst(%dma_wait3A_96 : memref<8x128xf32, #tpu.memory_space<hbm>>)
    %dma_wait3A_100 = arith.constant 0 : i32
    %dma_wait3A_101 = arith.constant 0 : i32
    %dma_wait3A_102 = arith.constant 0 : i32
    %dma_wait3A_103 = arith.constant 32 : i32
    %dma_wait3A_104 = arith.constant 0 : i32
    %dma_wait3A_105 = tpu.memref_slice %arg8[%dma_wait3A_103, %dma_wait3A_104] : memref<64x129xf32, #tpu.memory_space<vmem>> -> memref<8x128xf32, #tpu.memory_space<vmem>>
    %dma_wait3A_106 = arith.constant 0 : i32
    %dma_wait3A_107 = arith.constant 0 : i32
    %dma_wait3A_108 = tpu.memref_slice %arg4[%dma_wait3A_100, %dma_wait3A_101, %dma_wait3A_102, %dma_wait3A_106, %dma_wait3A_107] : memref<200x8x32x8x128xf32, #tpu.memory_space<hbm>> -> memref<1x1x1x8x128xf32, #tpu.memory_space<hbm>>
    %dma_wait3A_109 = tpu.memref_squeeze %dma_wait3A_108 : memref<1x1x1x8x128xf32, #tpu.memory_space<hbm>> -> memref<8x128xf32, #tpu.memory_space<hbm>>
    %dma_wait3A_110 = arith.constant 0 : i32
    %dma_wait3A_111 = arith.constant 0 : i32
    %dma_wait3A_112 = tpu.memref_slice %arg4[%dma_wait3A_100, %dma_wait3A_101, %dma_wait3A_102, %dma_wait3A_110, %dma_wait3A_111] : memref<200x8x32x8x128xf32, #tpu.memory_space<hbm>> -> memref<1x1x1x8x128xf32, #tpu.memory_space<hbm>>
    %dma_wait3A_113 = tpu.memref_squeeze %dma_wait3A_112 : memref<1x1x1x8x128xf32, #tpu.memory_space<hbm>> -> memref<8x128xf32, #tpu.memory_space<hbm>>
    %dma_wait3A_114 = arith.constant 32 : i32
    %dma_wait3A_115 = arith.constant 0 : i32
    %dma_wait3A_116 = tpu.memref_slice %arg8[%dma_wait3A_114, %dma_wait3A_115] : memref<64x129xf32, #tpu.memory_space<vmem>> -> memref<8x128xf32, #tpu.memory_space<vmem>>
    tpu.wait_dma2 semaphore(%arg12 : memref<!tpu.dma_semaphore, #tpu.memory_space<semaphore_mem>>) src(%dma_wait3A_116 : memref<8x128xf32, #tpu.memory_space<vmem>>) dst(%dma_wait3A_113 : memref<8x128xf32, #tpu.memory_space<hbm>>)
    %dma_wait3A_117 = arith.constant 0 : i32
    %dma_wait3A_118 = arith.constant 0 : i32
    %dma_wait3A_119 = arith.constant 0 : i32
    %dma_wait3A_120 = arith.constant 40 : i32
    %dma_wait3A_121 = arith.constant 0 : i32
    %dma_wait3A_122 = tpu.memref_slice %arg8[%dma_wait3A_120, %dma_wait3A_121] : memref<64x129xf32, #tpu.memory_space<vmem>> -> memref<8x128xf32, #tpu.memory_space<vmem>>
    %dma_wait3A_123 = arith.constant 0 : i32
    %dma_wait3A_124 = arith.constant 0 : i32
    %dma_wait3A_125 = tpu.memref_slice %arg4[%dma_wait3A_117, %dma_wait3A_118, %dma_wait3A_119, %dma_wait3A_123, %dma_wait3A_124] : memref<200x8x32x8x128xf32, #tpu.memory_space<hbm>> -> memref<1x1x1x8x128xf32, #tpu.memory_space<hbm>>
    %dma_wait3A_126 = tpu.memref_squeeze %dma_wait3A_125 : memref<1x1x1x8x128xf32, #tpu.memory_space<hbm>> -> memref<8x128xf32, #tpu.memory_space<hbm>>
    %dma_wait3A_127 = arith.constant 0 : i32
    %dma_wait3A_128 = arith.constant 0 : i32
    %dma_wait3A_129 = tpu.memref_slice %arg4[%dma_wait3A_117, %dma_wait3A_118, %dma_wait3A_119, %dma_wait3A_127, %dma_wait3A_128] : memref<200x8x32x8x128xf32, #tpu.memory_space<hbm>> -> memref<1x1x1x8x128xf32, #tpu.memory_space<hbm>>
    %dma_wait3A_130 = tpu.memref_squeeze %dma_wait3A_129 : memref<1x1x1x8x128xf32, #tpu.memory_space<hbm>> -> memref<8x128xf32, #tpu.memory_space<hbm>>
    %dma_wait3A_131 = arith.constant 40 : i32
    %dma_wait3A_132 = arith.constant 0 : i32
    %dma_wait3A_133 = tpu.memref_slice %arg8[%dma_wait3A_131, %dma_wait3A_132] : memref<64x129xf32, #tpu.memory_space<vmem>> -> memref<8x128xf32, #tpu.memory_space<vmem>>
    tpu.wait_dma2 semaphore(%arg12 : memref<!tpu.dma_semaphore, #tpu.memory_space<semaphore_mem>>) src(%dma_wait3A_133 : memref<8x128xf32, #tpu.memory_space<vmem>>) dst(%dma_wait3A_130 : memref<8x128xf32, #tpu.memory_space<hbm>>)
    %dma_wait3A_134 = arith.constant 0 : i32
    %dma_wait3A_135 = arith.constant 0 : i32
    %dma_wait3A_136 = arith.constant 0 : i32
    %dma_wait3A_137 = arith.constant 48 : i32
    %dma_wait3A_138 = arith.constant 0 : i32
    %dma_wait3A_139 = tpu.memref_slice %arg8[%dma_wait3A_137, %dma_wait3A_138] : memref<64x129xf32, #tpu.memory_space<vmem>> -> memref<8x128xf32, #tpu.memory_space<vmem>>
    %dma_wait3A_140 = arith.constant 0 : i32
    %dma_wait3A_141 = arith.constant 0 : i32
    %dma_wait3A_142 = tpu.memref_slice %arg4[%dma_wait3A_134, %dma_wait3A_135, %dma_wait3A_136, %dma_wait3A_140, %dma_wait3A_141] : memref<200x8x32x8x128xf32, #tpu.memory_space<hbm>> -> memref<1x1x1x8x128xf32, #tpu.memory_space<hbm>>
    %dma_wait3A_143 = tpu.memref_squeeze %dma_wait3A_142 : memref<1x1x1x8x128xf32, #tpu.memory_space<hbm>> -> memref<8x128xf32, #tpu.memory_space<hbm>>
    %dma_wait3A_144 = arith.constant 0 : i32
    %dma_wait3A_145 = arith.constant 0 : i32
    %dma_wait3A_146 = tpu.memref_slice %arg4[%dma_wait3A_134, %dma_wait3A_135, %dma_wait3A_136, %dma_wait3A_144, %dma_wait3A_145] : memref<200x8x32x8x128xf32, #tpu.memory_space<hbm>> -> memref<1x1x1x8x128xf32, #tpu.memory_space<hbm>>
    %dma_wait3A_147 = tpu.memref_squeeze %dma_wait3A_146 : memref<1x1x1x8x128xf32, #tpu.memory_space<hbm>> -> memref<8x128xf32, #tpu.memory_space<hbm>>
    %dma_wait3A_148 = arith.constant 48 : i32
    %dma_wait3A_149 = arith.constant 0 : i32
    %dma_wait3A_150 = tpu.memref_slice %arg8[%dma_wait3A_148, %dma_wait3A_149] : memref<64x129xf32, #tpu.memory_space<vmem>> -> memref<8x128xf32, #tpu.memory_space<vmem>>
    tpu.wait_dma2 semaphore(%arg12 : memref<!tpu.dma_semaphore, #tpu.memory_space<semaphore_mem>>) src(%dma_wait3A_150 : memref<8x128xf32, #tpu.memory_space<vmem>>) dst(%dma_wait3A_147 : memref<8x128xf32, #tpu.memory_space<hbm>>)
    %dma_wait3A_151 = arith.constant 0 : i32
    %dma_wait3A_152 = arith.constant 0 : i32
    %dma_wait3A_153 = arith.constant 0 : i32
    %dma_wait3A_154 = arith.constant 56 : i32
    %dma_wait3A_155 = arith.constant 0 : i32
    %dma_wait3A_156 = tpu.memref_slice %arg8[%dma_wait3A_154, %dma_wait3A_155] : memref<64x129xf32, #tpu.memory_space<vmem>> -> memref<8x128xf32, #tpu.memory_space<vmem>>
    %dma_wait3A_157 = arith.constant 0 : i32
    %dma_wait3A_158 = arith.constant 0 : i32
    %dma_wait3A_159 = tpu.memref_slice %arg4[%dma_wait3A_151, %dma_wait3A_152, %dma_wait3A_153, %dma_wait3A_157, %dma_wait3A_158] : memref<200x8x32x8x128xf32, #tpu.memory_space<hbm>> -> memref<1x1x1x8x128xf32, #tpu.memory_space<hbm>>
    %dma_wait3A_160 = tpu.memref_squeeze %dma_wait3A_159 : memref<1x1x1x8x128xf32, #tpu.memory_space<hbm>> -> memref<8x128xf32, #tpu.memory_space<hbm>>
    %dma_wait3A_161 = arith.constant 0 : i32
    %dma_wait3A_162 = arith.constant 0 : i32
    %dma_wait3A_163 = tpu.memref_slice %arg4[%dma_wait3A_151, %dma_wait3A_152, %dma_wait3A_153, %dma_wait3A_161, %dma_wait3A_162] : memref<200x8x32x8x128xf32, #tpu.memory_space<hbm>> -> memref<1x1x1x8x128xf32, #tpu.memory_space<hbm>>
    %dma_wait3A_164 = tpu.memref_squeeze %dma_wait3A_163 : memref<1x1x1x8x128xf32, #tpu.memory_space<hbm>> -> memref<8x128xf32, #tpu.memory_space<hbm>>
    %dma_wait3A_165 = arith.constant 56 : i32
    %dma_wait3A_166 = arith.constant 0 : i32
    %dma_wait3A_167 = tpu.memref_slice %arg8[%dma_wait3A_165, %dma_wait3A_166] : memref<64x129xf32, #tpu.memory_space<vmem>> -> memref<8x128xf32, #tpu.memory_space<vmem>>
    tpu.wait_dma2 semaphore(%arg12 : memref<!tpu.dma_semaphore, #tpu.memory_space<semaphore_mem>>) src(%dma_wait3A_167 : memref<8x128xf32, #tpu.memory_space<vmem>>) dst(%dma_wait3A_164 : memref<8x128xf32, #tpu.memory_space<hbm>>)
    %dma_wait3A_168 = arith.constant 0 : i32
    %dma_wait3A_169 = arith.constant 0 : i32
    %dma_wait3A_170 = arith.constant 0 : i32
    %dma_wait3A_171 = arith.constant 0 : i32
    %dma_wait3A_172 = arith.constant 0 : i32
    %dma_wait3A_173 = tpu.memref_slice %arg9[%dma_wait3A_171, %dma_wait3A_172] : memref<64x129xf32, #tpu.memory_space<vmem>> -> memref<8x128xf32, #tpu.memory_space<vmem>>
    %dma_wait3A_174 = arith.constant 0 : i32
    %dma_wait3A_175 = arith.constant 0 : i32
    %dma_wait3A_176 = tpu.memref_slice %arg4[%dma_wait3A_168, %dma_wait3A_169, %dma_wait3A_170, %dma_wait3A_174, %dma_wait3A_175] : memref<200x8x32x8x128xf32, #tpu.memory_space<hbm>> -> memref<1x1x1x8x128xf32, #tpu.memory_space<hbm>>
    %dma_wait3A_177 = tpu.memref_squeeze %dma_wait3A_176 : memref<1x1x1x8x128xf32, #tpu.memory_space<hbm>> -> memref<8x128xf32, #tpu.memory_space<hbm>>
    %dma_wait3A_178 = arith.constant 0 : i32
    %dma_wait3A_179 = arith.constant 0 : i32
    %dma_wait3A_180 = tpu.memref_slice %arg4[%dma_wait3A_168, %dma_wait3A_169, %dma_wait3A_170, %dma_wait3A_178, %dma_wait3A_179] : memref<200x8x32x8x128xf32, #tpu.memory_space<hbm>> -> memref<1x1x1x8x128xf32, #tpu.memory_space<hbm>>
    %dma_wait3A_181 = tpu.memref_squeeze %dma_wait3A_180 : memref<1x1x1x8x128xf32, #tpu.memory_space<hbm>> -> memref<8x128xf32, #tpu.memory_space<hbm>>
    %dma_wait3A_182 = arith.constant 0 : i32
    %dma_wait3A_183 = arith.constant 0 : i32
    %dma_wait3A_184 = tpu.memref_slice %arg9[%dma_wait3A_182, %dma_wait3A_183] : memref<64x129xf32, #tpu.memory_space<vmem>> -> memref<8x128xf32, #tpu.memory_space<vmem>>
    tpu.wait_dma2 semaphore(%arg13 : memref<!tpu.dma_semaphore, #tpu.memory_space<semaphore_mem>>) src(%dma_wait3A_184 : memref<8x128xf32, #tpu.memory_space<vmem>>) dst(%dma_wait3A_181 : memref<8x128xf32, #tpu.memory_space<hbm>>)
    %dma_wait3A_185 = arith.constant 0 : i32
    %dma_wait3A_186 = arith.constant 0 : i32
    %dma_wait3A_187 = arith.constant 0 : i32
    %dma_wait3A_188 = arith.constant 8 : i32
    %dma_wait3A_189 = arith.constant 0 : i32
    %dma_wait3A_190 = tpu.memref_slice %arg9[%dma_wait3A_188, %dma_wait3A_189] : memref<64x129xf32, #tpu.memory_space<vmem>> -> memref<8x128xf32, #tpu.memory_space<vmem>>
    %dma_wait3A_191 = arith.constant 0 : i32
    %dma_wait3A_192 = arith.constant 0 : i32
    %dma_wait3A_193 = tpu.memref_slice %arg4[%dma_wait3A_185, %dma_wait3A_186, %dma_wait3A_187, %dma_wait3A_191, %dma_wait3A_192] : memref<200x8x32x8x128xf32, #tpu.memory_space<hbm>> -> memref<1x1x1x8x128xf32, #tpu.memory_space<hbm>>
    %dma_wait3A_194 = tpu.memref_squeeze %dma_wait3A_193 : memref<1x1x1x8x128xf32, #tpu.memory_space<hbm>> -> memref<8x128xf32, #tpu.memory_space<hbm>>
    %dma_wait3A_195 = arith.constant 0 : i32
    %dma_wait3A_196 = arith.constant 0 : i32
    %dma_wait3A_197 = tpu.memref_slice %arg4[%dma_wait3A_185, %dma_wait3A_186, %dma_wait3A_187, %dma_wait3A_195, %dma_wait3A_196] : memref<200x8x32x8x128xf32, #tpu.memory_space<hbm>> -> memref<1x1x1x8x128xf32, #tpu.memory_space<hbm>>
    %dma_wait3A_198 = tpu.memref_squeeze %dma_wait3A_197 : memref<1x1x1x8x128xf32, #tpu.memory_space<hbm>> -> memref<8x128xf32, #tpu.memory_space<hbm>>
    %dma_wait3A_199 = arith.constant 8 : i32
    %dma_wait3A_200 = arith.constant 0 : i32
    %dma_wait3A_201 = tpu.memref_slice %arg9[%dma_wait3A_199, %dma_wait3A_200] : memref<64x129xf32, #tpu.memory_space<vmem>> -> memref<8x128xf32, #tpu.memory_space<vmem>>
    tpu.wait_dma2 semaphore(%arg13 : memref<!tpu.dma_semaphore, #tpu.memory_space<semaphore_mem>>) src(%dma_wait3A_201 : memref<8x128xf32, #tpu.memory_space<vmem>>) dst(%dma_wait3A_198 : memref<8x128xf32, #tpu.memory_space<hbm>>)
    %dma_wait3A_202 = arith.constant 0 : i32
    %dma_wait3A_203 = arith.constant 0 : i32
    %dma_wait3A_204 = arith.constant 0 : i32
    %dma_wait3A_205 = arith.constant 16 : i32
    %dma_wait3A_206 = arith.constant 0 : i32
    %dma_wait3A_207 = tpu.memref_slice %arg9[%dma_wait3A_205, %dma_wait3A_206] : memref<64x129xf32, #tpu.memory_space<vmem>> -> memref<8x128xf32, #tpu.memory_space<vmem>>
    %dma_wait3A_208 = arith.constant 0 : i32
    %dma_wait3A_209 = arith.constant 0 : i32
    %dma_wait3A_210 = tpu.memref_slice %arg4[%dma_wait3A_202, %dma_wait3A_203, %dma_wait3A_204, %dma_wait3A_208, %dma_wait3A_209] : memref<200x8x32x8x128xf32, #tpu.memory_space<hbm>> -> memref<1x1x1x8x128xf32, #tpu.memory_space<hbm>>
    %dma_wait3A_211 = tpu.memref_squeeze %dma_wait3A_210 : memref<1x1x1x8x128xf32, #tpu.memory_space<hbm>> -> memref<8x128xf32, #tpu.memory_space<hbm>>
    %dma_wait3A_212 = arith.constant 0 : i32
    %dma_wait3A_213 = arith.constant 0 : i32
    %dma_wait3A_214 = tpu.memref_slice %arg4[%dma_wait3A_202, %dma_wait3A_203, %dma_wait3A_204, %dma_wait3A_212, %dma_wait3A_213] : memref<200x8x32x8x128xf32, #tpu.memory_space<hbm>> -> memref<1x1x1x8x128xf32, #tpu.memory_space<hbm>>
    %dma_wait3A_215 = tpu.memref_squeeze %dma_wait3A_214 : memref<1x1x1x8x128xf32, #tpu.memory_space<hbm>> -> memref<8x128xf32, #tpu.memory_space<hbm>>
    %dma_wait3A_216 = arith.constant 16 : i32
    %dma_wait3A_217 = arith.constant 0 : i32
    %dma_wait3A_218 = tpu.memref_slice %arg9[%dma_wait3A_216, %dma_wait3A_217] : memref<64x129xf32, #tpu.memory_space<vmem>> -> memref<8x128xf32, #tpu.memory_space<vmem>>
    tpu.wait_dma2 semaphore(%arg13 : memref<!tpu.dma_semaphore, #tpu.memory_space<semaphore_mem>>) src(%dma_wait3A_218 : memref<8x128xf32, #tpu.memory_space<vmem>>) dst(%dma_wait3A_215 : memref<8x128xf32, #tpu.memory_space<hbm>>)
    %dma_wait3A_219 = arith.constant 0 : i32
    %dma_wait3A_220 = arith.constant 0 : i32
    %dma_wait3A_221 = arith.constant 0 : i32
    %dma_wait3A_222 = arith.constant 24 : i32
    %dma_wait3A_223 = arith.constant 0 : i32
    %dma_wait3A_224 = tpu.memref_slice %arg9[%dma_wait3A_222, %dma_wait3A_223] : memref<64x129xf32, #tpu.memory_space<vmem>> -> memref<8x128xf32, #tpu.memory_space<vmem>>
    %dma_wait3A_225 = arith.constant 0 : i32
    %dma_wait3A_226 = arith.constant 0 : i32
    %dma_wait3A_227 = tpu.memref_slice %arg4[%dma_wait3A_219, %dma_wait3A_220, %dma_wait3A_221, %dma_wait3A_225, %dma_wait3A_226] : memref<200x8x32x8x128xf32, #tpu.memory_space<hbm>> -> memref<1x1x1x8x128xf32, #tpu.memory_space<hbm>>
    %dma_wait3A_228 = tpu.memref_squeeze %dma_wait3A_227 : memref<1x1x1x8x128xf32, #tpu.memory_space<hbm>> -> memref<8x128xf32, #tpu.memory_space<hbm>>
    %dma_wait3A_229 = arith.constant 0 : i32
    %dma_wait3A_230 = arith.constant 0 : i32
    %dma_wait3A_231 = tpu.memref_slice %arg4[%dma_wait3A_219, %dma_wait3A_220, %dma_wait3A_221, %dma_wait3A_229, %dma_wait3A_230] : memref<200x8x32x8x128xf32, #tpu.memory_space<hbm>> -> memref<1x1x1x8x128xf32, #tpu.memory_space<hbm>>
    %dma_wait3A_232 = tpu.memref_squeeze %dma_wait3A_231 : memref<1x1x1x8x128xf32, #tpu.memory_space<hbm>> -> memref<8x128xf32, #tpu.memory_space<hbm>>
    %dma_wait3A_233 = arith.constant 24 : i32
    %dma_wait3A_234 = arith.constant 0 : i32
    %dma_wait3A_235 = tpu.memref_slice %arg9[%dma_wait3A_233, %dma_wait3A_234] : memref<64x129xf32, #tpu.memory_space<vmem>> -> memref<8x128xf32, #tpu.memory_space<vmem>>
    tpu.wait_dma2 semaphore(%arg13 : memref<!tpu.dma_semaphore, #tpu.memory_space<semaphore_mem>>) src(%dma_wait3A_235 : memref<8x128xf32, #tpu.memory_space<vmem>>) dst(%dma_wait3A_232 : memref<8x128xf32, #tpu.memory_space<hbm>>)
    %dma_wait3A_236 = arith.constant 0 : i32
    %dma_wait3A_237 = arith.constant 0 : i32
    %dma_wait3A_238 = arith.constant 0 : i32
    %dma_wait3A_239 = arith.constant 32 : i32
    %dma_wait3A_240 = arith.constant 0 : i32
    %dma_wait3A_241 = tpu.memref_slice %arg9[%dma_wait3A_239, %dma_wait3A_240] : memref<64x129xf32, #tpu.memory_space<vmem>> -> memref<8x128xf32, #tpu.memory_space<vmem>>
    %dma_wait3A_242 = arith.constant 0 : i32
    %dma_wait3A_243 = arith.constant 0 : i32
    %dma_wait3A_244 = tpu.memref_slice %arg4[%dma_wait3A_236, %dma_wait3A_237, %dma_wait3A_238, %dma_wait3A_242, %dma_wait3A_243] : memref<200x8x32x8x128xf32, #tpu.memory_space<hbm>> -> memref<1x1x1x8x128xf32, #tpu.memory_space<hbm>>
    %dma_wait3A_245 = tpu.memref_squeeze %dma_wait3A_244 : memref<1x1x1x8x128xf32, #tpu.memory_space<hbm>> -> memref<8x128xf32, #tpu.memory_space<hbm>>
    %dma_wait3A_246 = arith.constant 0 : i32
    %dma_wait3A_247 = arith.constant 0 : i32
    %dma_wait3A_248 = tpu.memref_slice %arg4[%dma_wait3A_236, %dma_wait3A_237, %dma_wait3A_238, %dma_wait3A_246, %dma_wait3A_247] : memref<200x8x32x8x128xf32, #tpu.memory_space<hbm>> -> memref<1x1x1x8x128xf32, #tpu.memory_space<hbm>>
    %dma_wait3A_249 = tpu.memref_squeeze %dma_wait3A_248 : memref<1x1x1x8x128xf32, #tpu.memory_space<hbm>> -> memref<8x128xf32, #tpu.memory_space<hbm>>
    %dma_wait3A_250 = arith.constant 32 : i32
    %dma_wait3A_251 = arith.constant 0 : i32
    %dma_wait3A_252 = tpu.memref_slice %arg9[%dma_wait3A_250, %dma_wait3A_251] : memref<64x129xf32, #tpu.memory_space<vmem>> -> memref<8x128xf32, #tpu.memory_space<vmem>>
    tpu.wait_dma2 semaphore(%arg13 : memref<!tpu.dma_semaphore, #tpu.memory_space<semaphore_mem>>) src(%dma_wait3A_252 : memref<8x128xf32, #tpu.memory_space<vmem>>) dst(%dma_wait3A_249 : memref<8x128xf32, #tpu.memory_space<hbm>>)
    %dma_wait3A_253 = arith.constant 0 : i32
    %dma_wait3A_254 = arith.constant 0 : i32
    %dma_wait3A_255 = arith.constant 0 : i32
    %dma_wait3A_256 = arith.constant 40 : i32
    %dma_wait3A_257 = arith.constant 0 : i32
    %dma_wait3A_258 = tpu.memref_slice %arg9[%dma_wait3A_256, %dma_wait3A_257] : memref<64x129xf32, #tpu.memory_space<vmem>> -> memref<8x128xf32, #tpu.memory_space<vmem>>
    %dma_wait3A_259 = arith.constant 0 : i32
    %dma_wait3A_260 = arith.constant 0 : i32
    %dma_wait3A_261 = tpu.memref_slice %arg4[%dma_wait3A_253, %dma_wait3A_254, %dma_wait3A_255, %dma_wait3A_259, %dma_wait3A_260] : memref<200x8x32x8x128xf32, #tpu.memory_space<hbm>> -> memref<1x1x1x8x128xf32, #tpu.memory_space<hbm>>
    %dma_wait3A_262 = tpu.memref_squeeze %dma_wait3A_261 : memref<1x1x1x8x128xf32, #tpu.memory_space<hbm>> -> memref<8x128xf32, #tpu.memory_space<hbm>>
    %dma_wait3A_263 = arith.constant 0 : i32
    %dma_wait3A_264 = arith.constant 0 : i32
    %dma_wait3A_265 = tpu.memref_slice %arg4[%dma_wait3A_253, %dma_wait3A_254, %dma_wait3A_255, %dma_wait3A_263, %dma_wait3A_264] : memref<200x8x32x8x128xf32, #tpu.memory_space<hbm>> -> memref<1x1x1x8x128xf32, #tpu.memory_space<hbm>>
    %dma_wait3A_266 = tpu.memref_squeeze %dma_wait3A_265 : memref<1x1x1x8x128xf32, #tpu.memory_space<hbm>> -> memref<8x128xf32, #tpu.memory_space<hbm>>
    %dma_wait3A_267 = arith.constant 40 : i32
    %dma_wait3A_268 = arith.constant 0 : i32
    %dma_wait3A_269 = tpu.memref_slice %arg9[%dma_wait3A_267, %dma_wait3A_268] : memref<64x129xf32, #tpu.memory_space<vmem>> -> memref<8x128xf32, #tpu.memory_space<vmem>>
    tpu.wait_dma2 semaphore(%arg13 : memref<!tpu.dma_semaphore, #tpu.memory_space<semaphore_mem>>) src(%dma_wait3A_269 : memref<8x128xf32, #tpu.memory_space<vmem>>) dst(%dma_wait3A_266 : memref<8x128xf32, #tpu.memory_space<hbm>>)
    %dma_wait3A_270 = arith.constant 0 : i32
    %dma_wait3A_271 = arith.constant 0 : i32
    %dma_wait3A_272 = arith.constant 0 : i32
    %dma_wait3A_273 = arith.constant 48 : i32
    %dma_wait3A_274 = arith.constant 0 : i32
    %dma_wait3A_275 = tpu.memref_slice %arg9[%dma_wait3A_273, %dma_wait3A_274] : memref<64x129xf32, #tpu.memory_space<vmem>> -> memref<8x128xf32, #tpu.memory_space<vmem>>
    %dma_wait3A_276 = arith.constant 0 : i32
    %dma_wait3A_277 = arith.constant 0 : i32
    %dma_wait3A_278 = tpu.memref_slice %arg4[%dma_wait3A_270, %dma_wait3A_271, %dma_wait3A_272, %dma_wait3A_276, %dma_wait3A_277] : memref<200x8x32x8x128xf32, #tpu.memory_space<hbm>> -> memref<1x1x1x8x128xf32, #tpu.memory_space<hbm>>
    %dma_wait3A_279 = tpu.memref_squeeze %dma_wait3A_278 : memref<1x1x1x8x128xf32, #tpu.memory_space<hbm>> -> memref<8x128xf32, #tpu.memory_space<hbm>>
    %dma_wait3A_280 = arith.constant 0 : i32
    %dma_wait3A_281 = arith.constant 0 : i32
    %dma_wait3A_282 = tpu.memref_slice %arg4[%dma_wait3A_270, %dma_wait3A_271, %dma_wait3A_272, %dma_wait3A_280, %dma_wait3A_281] : memref<200x8x32x8x128xf32, #tpu.memory_space<hbm>> -> memref<1x1x1x8x128xf32, #tpu.memory_space<hbm>>
    %dma_wait3A_283 = tpu.memref_squeeze %dma_wait3A_282 : memref<1x1x1x8x128xf32, #tpu.memory_space<hbm>> -> memref<8x128xf32, #tpu.memory_space<hbm>>
    %dma_wait3A_284 = arith.constant 48 : i32
    %dma_wait3A_285 = arith.constant 0 : i32
    %dma_wait3A_286 = tpu.memref_slice %arg9[%dma_wait3A_284, %dma_wait3A_285] : memref<64x129xf32, #tpu.memory_space<vmem>> -> memref<8x128xf32, #tpu.memory_space<vmem>>
    tpu.wait_dma2 semaphore(%arg13 : memref<!tpu.dma_semaphore, #tpu.memory_space<semaphore_mem>>) src(%dma_wait3A_286 : memref<8x128xf32, #tpu.memory_space<vmem>>) dst(%dma_wait3A_283 : memref<8x128xf32, #tpu.memory_space<hbm>>)
    %dma_wait3A_287 = arith.constant 0 : i32
    %dma_wait3A_288 = arith.constant 0 : i32
    %dma_wait3A_289 = arith.constant 0 : i32
    %dma_wait3A_290 = arith.constant 56 : i32
    %dma_wait3A_291 = arith.constant 0 : i32
    %dma_wait3A_292 = tpu.memref_slice %arg9[%dma_wait3A_290, %dma_wait3A_291] : memref<64x129xf32, #tpu.memory_space<vmem>> -> memref<8x128xf32, #tpu.memory_space<vmem>>
    %dma_wait3A_293 = arith.constant 0 : i32
    %dma_wait3A_294 = arith.constant 0 : i32
    %dma_wait3A_295 = tpu.memref_slice %arg4[%dma_wait3A_287, %dma_wait3A_288, %dma_wait3A_289, %dma_wait3A_293, %dma_wait3A_294] : memref<200x8x32x8x128xf32, #tpu.memory_space<hbm>> -> memref<1x1x1x8x128xf32, #tpu.memory_space<hbm>>
    %dma_wait3A_296 = tpu.memref_squeeze %dma_wait3A_295 : memref<1x1x1x8x128xf32, #tpu.memory_space<hbm>> -> memref<8x128xf32, #tpu.memory_space<hbm>>
    %dma_wait3A_297 = arith.constant 0 : i32
    %dma_wait3A_298 = arith.constant 0 : i32
    %dma_wait3A_299 = tpu.memref_slice %arg4[%dma_wait3A_287, %dma_wait3A_288, %dma_wait3A_289, %dma_wait3A_297, %dma_wait3A_298] : memref<200x8x32x8x128xf32, #tpu.memory_space<hbm>> -> memref<1x1x1x8x128xf32, #tpu.memory_space<hbm>>
    %dma_wait3A_300 = tpu.memref_squeeze %dma_wait3A_299 : memref<1x1x1x8x128xf32, #tpu.memory_space<hbm>> -> memref<8x128xf32, #tpu.memory_space<hbm>>
    %dma_wait3A_301 = arith.constant 56 : i32
    %dma_wait3A_302 = arith.constant 0 : i32
    %dma_wait3A_303 = tpu.memref_slice %arg9[%dma_wait3A_301, %dma_wait3A_302] : memref<64x129xf32, #tpu.memory_space<vmem>> -> memref<8x128xf32, #tpu.memory_space<vmem>>
    tpu.wait_dma2 semaphore(%arg13 : memref<!tpu.dma_semaphore, #tpu.memory_space<semaphore_mem>>) src(%dma_wait3A_303 : memref<8x128xf32, #tpu.memory_space<vmem>>) dst(%dma_wait3A_300 : memref<8x128xf32, #tpu.memory_space<hbm>>)
    return
  }
}

</mosaic_0001>

<sc_bundles>
// kernel: kernel.3.cloned.1.call-start
scs
__scs_entry_jumppad:
0x0: {  	(pc) =	sbr.rel $0x88, $3  }
0x1: {  	(tag) =	ssettag $0x0;
	lr =	simm.s32 $0x1  }
0x2: {  	[smem:$0x3F9F] =	sst lr;
	_ =	strace $0xD0000000  }
0x3: {  	_ = 	snop  }
0x4: {  	_ = 	snop  }
0x5: {  	_ = 	snop  }
0x6: {  	_ = 	snop  }
0x7: {  	_ = 	snop  }
__scs_overlays_trampoline_lowered:
0x8: {  	[smem:$0x3FAE] =	sst s0  }
0x9: {  	[smem:$0x3FAF] =	sst s1  }
0xa: {  	[smem:$0x3FB0] =	sst s2  }
0xb: {  	[smem:$0x3FB1] =	sst s3  }
0xc: {  	[smem:$0x3FB2] =	sst s4  }
0xd: {  	[smem:$0x3FB3] =	sst s5  }
0xe: {  	[smem:$0x3FB4] =	sst s6  }
0xf: {  	[smem:$0x3FB5] =	sst s7  }
0x10: {  	[smem:$0x3FB6] =	sst s8  }
0x11: {  	[smem:$0x3FB7] =	sst s9;
	s0 =	simm.s32 @!p0 $0x0  }
0x12: {  	s1 =	sld [smem:$0x3F9D];
	s0 =	simm.s32 @p0 $0x1  }
0x13: {  	[smem:$0x3FB8] =	sst s0;
	s0 =	simm.s32 @!p1 $0x0  }
0x14: {  	s2 =	sld [smem:$0x3F9C];
	s0 =	simm.s32 @p1 $0x1  }
0x15: {  	[smem:$0x3FB9] =	sst s0;
	s0 =	simm.s32 @!p2 $0x0  }
0x16: {  	s3 =	sld [smem:$0x3FDB];
	s0 =	simm.s32 @p2 $0x1  }
0x17: {  	s4 =	simm.s32 $0x1BF5;
	[smem:$0x3FBB] =	sst s0  }
0x18: {  	s0 =	sld [smem:$0x3F9E];
	_ =	swait.ge [sflag:s4], $0x0  }
0x19: {  	s7 =	sld [smem:$0x3F9F]  }
0x1a: {  	s8 =	sadd.s32 $0xFFFFE003, lr  }
0x1b: {  	s9 =	sadd.s32 $0xFFFFFEF7, lr;
	s5 =	simm.s32 $0xFFFFFFFF;
	p2 =	slt.u32 s8, $0xFFFFF086  }
0x1c: {  	p1 =	slt.u32 s9, $0xF7A;
	s5 =	simm.s32 @!p2 $0x0  }
0x1d: {  	s5 =	simm.s32 @p1 $0x1;
	p0 =	seq.s32 s7, s2  }
0x1e: {  	s7 =	smul.u32 @!p0 $0xF7A, s2;
	p2 =	seq.s32 @!p0 s5, $0x0  }
0x1f: {  	s9 =	smul.u32 $0xF7A, s1;
	s8 =	simm.s32 @!p0 $0x1BF5;
	p2 =	por !p2, p0  }
0x20: {  	[sflag:s8] =	ssyncset.s32 @!p0 $0xFFFFF086;
	s6 =	sadd.s32 @!p0 s3, s7;
	s7 =	simm.s32 @!p0 $0x108  }
0x21: {  	s3 =	sadd.s32 s3, s9;
	s6 =	sadd.s32 @!p0 $0x88, s6;
	s7 =	simm.s32 @p2 $0x1082  }
0x22: {  	[simem:s7], [sflag:s8] =	dma.local @!p0 [hbm:s6], $0xF7A  }
0x23: {  	s9 =	sor.u32 $0xD0000000, s2;
	s6 =	simm.s32 $0x108;
	_ =	swait.ge @!p0 [sflag:s8], $0x0  }
0x24: {  	s3 =	sadd.s32 $0x88, s3;
	s6 =	simm.s32 @!p1 $0x1082;
	[sflag:s4] =	ssyncset.s32 $0xFFFFF086  }
0x25: {  	[simem:s6], [sflag:s4] =	dma.local [hbm:s3], $0xF7A  }
0x26: {  	[smem:$0x3F9F] =	sst s1;
	(tag) =	ssettag s2;
	_ =	strace s9  }
0x27: {  	s1 =	sld [smem:$0x3FAF]  }
0x28: {  	s2 =	sld [smem:$0x3FB0]  }
0x29: {  	s4 =	sld [smem:$0x3FB2]  }
0x2a: {  	p0 =	seq.s32 s5, $0x0;
	s5 =	sld [smem:$0x3FB3]  }
0x2b: {  	s6 =	sld [smem:$0x3FB4]  }
0x2c: {  	s7 =	sld [smem:$0x3FB5]  }
0x2d: {  	s3 =	simm.s32 $0x108;
	s8 =	sld [smem:$0x3FB6]  }
0x2e: {  	s3 =	simm.s32 @!p0 $0x1082;
	s9 =	sld [smem:$0x3FB7]  }
0x2f: {  	lr =	sadd.s32 s0, s3;
	s0 =	sld [smem:$0x3FAE]  }
0x30: {  	s3 =	sld [smem:$0x3FB1]  }
0x31: {  	[smem:$0x3FBA] =	sst s10  }
0x32: {  	s10 =	sld [smem:$0x3FB8];
	_ =	sdelay $0x3  }
0x33: {  	p0 =	seq.s32 s10, $0x1;
	s10 =	sld [smem:$0x3FBA];
	_ =	sdelay $0x3  }
0x34: {  	[smem:$0x3FBA] =	sst s10  }
0x35: {  	s10 =	sld [smem:$0x3FB9];
	_ =	sdelay $0x3  }
0x36: {  	p1 =	seq.s32 s10, $0x1;
	s10 =	sld [smem:$0x3FBA];
	_ =	sdelay $0x3  }
0x37: {  	[smem:$0x3FBA] =	sst s10  }
0x38: {  	s10 =	sld [smem:$0x3FBB]  }
0x39: {  	_ = 	snop;
	(pc) =	sbr.ind lr, $3  }
0x3a: {  	_ = 	snop  }
0x3b: {  	_ = 	snop  }
0x3c: {  	p2 =	seq.s32 s10, $0x1;
	s10 =	sld [smem:$0x3FBA]  }
0x3d: {  	_ =	shalt  }
0x3e: {  	_ =	shalt  }
0x3f: {  	_ =	shalt  }
0x40: {  	_ =	shalt  }
0x41: {  	_ =	shalt  }
0x42: {  	_ =	shalt  }
0x43: {  	_ =	shalt  }
0x44: {  	_ =	shalt  }
0x45: {  	_ =	shalt  }
0x46: {  	_ =	shalt  }
0x47: {  	_ =	shalt  }
0x48: {  	_ =	shalt  }
0x49: {  	_ =	shalt  }
0x4a: {  	_ =	shalt  }
0x4b: {  	_ =	shalt  }
0x4c: {  	_ =	shalt  }
0x4d: {  	_ =	shalt  }
0x4e: {  	_ =	shalt  }
0x4f: {  	_ =	shalt  }
0x50: {  	_ =	shalt  }
0x51: {  	_ =	shalt  }
0x52: {  	_ =	shalt  }
0x53: {  	_ =	shalt  }
0x54: {  	_ =	shalt  }
0x55: {  	_ =	shalt  }
0x56: {  	_ =	shalt  }
0x57: {  	_ =	shalt  }
0x58: {  	_ =	shalt  }
0x59: {  	_ =	shalt  }
0x5a: {  	_ =	shalt  }
0x5b: {  	_ =	shalt  }
0x5c: {  	_ =	shalt  }
0x5d: {  	_ =	shalt  }
0x5e: {  	_ =	shalt  }
0x5f: {  	_ =	shalt  }
0x60: {  	_ =	shalt  }
0x61: {  	_ =	shalt  }
0x62: {  	_ =	shalt  }
0x63: {  	_ =	shalt  }
0x64: {  	_ =	shalt  }
0x65: {  	_ =	shalt  }
0x66: {  	_ =	shalt  }
0x67: {  	_ =	shalt  }
0x68: {  	_ =	shalt  }
0x69: {  	_ =	shalt  }
0x6a: {  	_ =	shalt  }
0x6b: {  	_ =	shalt  }
0x6c: {  	_ =	shalt  }
0x6d: {  	_ =	shalt  }
0x6e: {  	_ =	shalt  }
0x6f: {  	_ =	shalt  }
0x70: {  	_ =	shalt  }
0x71: {  	_ =	shalt  }
0x72: {  	_ =	shalt  }
0x73: {  	_ =	shalt  }
0x74: {  	_ =	shalt  }
0x75: {  	_ =	shalt  }
0x76: {  	_ =	shalt  }
0x77: {  	_ =	shalt  }
0x78: {  	_ =	shalt  }
0x79: {  	_ =	shalt  }
0x7a: {  	_ =	shalt  }
0x7b: {  	_ =	shalt  }
0x7c: {  	_ =	shalt  }
0x7d: {  	_ =	shalt  }
0x7e: {  	_ =	shalt  }
0x7f: {  	_ =	shalt  }
0x80: {  	_ =	shalt  }
0x81: {  	_ =	shalt  }
0x82: {  	_ =	shalt  }
0x83: {  	_ =	shalt  }
0x84: {  	_ =	shalt  }
0x85: {  	_ =	shalt  }
0x86: {  	_ =	shalt  }
0x87: {  	_ =	shalt  }
.Lfunc_end0:
.L_simem_size_0:
called_computation_lowered:
.L_overlay_start_0:
0x88: {  	s2 =	sld [smem:$0x3FD9]  }
0x89: {  	s3 =	sld [smem:$0x3FFE];
	_ =	sdelay $0x1  }
0x8a: {  	s1 =	srdreg.scid  }
0x8b: {  	s0 =	sand.u32 $0x1, s1  }
0x8c: {  	s17 =	sshll.u32 s0, $0xA;
	s2 =	sadd.s32 s3, s2  }
0x8d: {  	s2 =	sadd.s32 s2, s17  }
0x8e: {  	[smem:$0x3FC6] =	sst s2  }
0x8f: {  	_ = 	snop  }
0x90: {  	s2 =	sld [smem:$0x3FD0];
	(tm) =	ssettm $0x1  }
0x91: {  	s18 =	sld [smem:$0x3FFB];
	_ =	sdelay $0x3  }
0x92: {  	_ =	strace s18  }
0x93: {  	s3 =	sld [smem:$0x3FFC];
	_ =	sdelay $0x3  }
0x94: {  	_ =	strace s3  }
0x95: {  	s3 =	sld [smem:$0x3FFD];
	_ =	sdelay $0x3  }
0x96: {  	_ =	strace s3  }
0x97: {  	_ =	strace $0x8FFFFFFF  }
0x98: {  	s19 =	sld [smem:$0x3FDB];
	_ =	sdelay $0x1  }
0x99: {  	s4 =	simm.s32 $_scs_section_size  }
0x9a: {  	s5 =	simm.s32 $_size__tile_overlayer_lowered;
	s6 =	simm.s32 $_tile_overlayer_lowered  }
0x9b: {  	s22 =	simm.s32 $0x1BFF;
	s21 =	sshll.u32 s6, $0x1;
	s3 =	sadd.s32 s4, s19  }
0x9c: {  	s7 =	simm.s32 $0x0;
	s20 =	sshll.u32 s5, $0x1;
	s5 =	sadd.s32 s21, s3  }
0x9d: {  	[timem:s7], [sflag:s22] =	dma.local [hbm:s5], s20  }
0x9e: {  	_ =	swait.ge [sflag:s22], s20  }
0x9f: {  	s4 =	ssub.s32 $0x0, s20;
	[sflag:s22] =	ssyncset.done $0x0  }
0xa0: {  	[sflag:s22] =	ssyncadd.s32 s4;
	_ =	sdelay $0x1  }
0xa1: {  	s23 =	simm.s32 $0x1B8B  }
0xa2: {  	_ =	swait.ge [sflag:s23], $0x1  }
0xa3: {  	[sflag:s23] =	ssyncset.done $0x0  }
0xa4: {  	s25 =	simm.s32 $0x1B8E;
	s24 =	sld [smem:$0x3FFE];
	[sflag:s23] =	ssyncadd.s32 $0xFFFFFFFF  }
0xa5: {  	s26 =	simm.s32 $execute0_lowered;
	[smem:$0x3FD2] =	sst s25  }
0xa6: {  	s5 =	sshll.u32 s26, $0x1;
	_ =	strace $0x80000046;
	[dreg:$0x1] =	wrdreg $0xFFFFFFFF  }
0xa7: {  	s28 =	simm.s32 $_size_execute0_lowered;
	s3 =	sadd.s32 s3, s5;
	[dreg:$0x0] =	wrdreg $0x0  }
0xa8: {  	s5 =	sshll.u32 s28, $0x1;
	[dreg:$0x2] =	wrdreg s3  }
0xa9: {  	[dreg:$0x3] =	wrdreg s5  }
0xaa: {  	[dreg:$0x4] =	wrdreg $0xC0  }
0xab: {  	_ =	task [dreg:s7], $0x5FFFF  }
0xac: {  	[dreg:$0x1] =	wrdreg $0xFFFFFFFF  }
0xad: {  	[dreg:$0x0] =	wrdreg $0x60  }
0xae: {  	[dreg:$0x2] =	wrdreg s24  }
0xaf: {  	[dreg:$0x3] =	wrdreg s2  }
0xb0: {  	[dreg:$0x4] =	wrdreg $0x9  }
0xb1: {  	_ =	task.clear_ibuf [dreg:s7], $0x5FFFF;
	_ =	strace $0x90000046  }
0xb2: {  	s29 =	simm.s32 $0x9;
	_ =	strace $0x80000048  }
0xb3: {  	_ =	swait.ge [sflag:s29], $0x1  }
0xb4: {  	[sflag:s29] =	ssyncadd.s32 $0xFFFFFFFF  }
0xb5: {  	_ =	strace $0x90000048  }
0xb6: {  	_ =	sfence  }
0xb7: {  	s30 =	sld [smem:$0x0];
	_ =	sdelay $0x2  }
0xb8: {  	s31 =	sshll.u32 s1, $0xD;
	s1 =	sshrl.u32 s1, $0x2  }
0xb9: {  	s3 =	sand.u32 $0x4000, s31;
	s1 =	sadd.s32 s1, s30  }
0xba: {  	s0 =	sor.u32 s3, s0;
	s1 =	sshll.u32 s1, $0x11  }
0xbb: {  	s0 =	sor.u32 s1, s0  }
0xbc: {  	s0 =	sadd.s32 $0x8F2B, s0  }
0xbd: {  	[sflag:s0] =	ssyncadd.remote.s32 $0x1  }
0xbe: {  	_ =	sfence.sel $0xFFFF  }
0xbf: {  	[dreg:$0x0] =	wrdreg $0xFFFFFFFF;
	(pc) =	sbr.abs _section_cstart, $3  }
0xc0: {  	[dreg:$0x1] =	wrdreg $0xFFFFFFFF  }
0xc1: {  	_ =	task.clear_ibuf [dreg:s7], $0x2FFFF;
	_ =	strace $0x9FFFFFFF  }
0xc2: {  	(tm) =	ssettm $0x7FFFFFFF  }
0xc3: {  	_ =	shalt  }
tec
execute0_lowered:
.L_overlay_start_1:
0x0: {  	(tag) =	ssettag $0x1  }
0x1: {  	s0 =	rddreg [dreg:$0x0];
	s1 =	srdreg.scid  }
0x2: {  	s3 =	stileid.u32;
	s2 =	rddreg [dreg:$0x1];
	s12 =	simm.s32 $0x1  }
0x3: {  	s13 =	simm.s32 $0xA400;
	s28 =	simm.s32 $0x2;
	s29 =	simm.s32 $0xC600  }
0x4: {  	s10 =	simm.s32 $0xE118;
	s11 =	simm.s32 $0xE1A0;
	s9 =	simm.s32 $0xE228  }
0x5: {  	s7 =	simm.s32 $0xE338;
	s8 =	simm.s32 $0xE3C0;
	s14 =	simm.s32 $0xE448  }
0x6: {  	s15 =	simm.s32 $0xE4D0;
	s16 =	simm.s32 $0xE558;
	s17 =	simm.s32 $0xE5E0  }
0x7: {  	s18 =	simm.s32 $0xE668;
	s19 =	simm.s32 $0xE6F0;
	s20 =	simm.s32 $0xE778  }
0x8: {  	s23 =	simm.s32 $0x0;
	s1 =	sand.u32 $0x1, s1;
	s4 =	sshll.u32 s3, $0x1  }
0x9: {  	s3 =	simm.s32 $0x0;
	s5 =	sor.u32 s1, s4;
	s1 =	ssub.s32 $0x2, s1  }
0xa: {  	[smem:$0x7FF] =	sst s3;
	s6 =	smul.u32 $0xC80, s5;
	s30 =	sshrl.u32 s1, $0x1  }
0xb: {  	v0 =	vlaneseq.u32;
	s4 =	sadd.s32 $0xF42A00, s0;
	_ =	strace $0x80000047;
	s1 =	ssub.s32 s1, s30  }
0xc: {  	v0 =	vmul.u32 $0x88, v0;
	s5 =	smul.u32 $0xC8, s5;
	s0 =	sadd.s32 s6, s0;
	s31 =	smax.u32 s1, $0x1  }
0xd: {  	s1 =	simm.s32 $0xE008;
	s0 =	sadd.s32 $0x600, s0;
	[dreg:$0x4] =	wrdreg s31  }
0xe: {  	v1 =	vadd.s32 $0x880, v0;
	v2 =	vadd.s32 $0x1100, v0;
	v3 =	vadd.s32 $0x1980, v0;
	s6 =	simm.s32 $0xE2B0;
	[dreg:$0x3] =	wrdreg s0;
	s0 =	simm.s32 $0xE090  }
.LBB2_1:
0xf: {  	[dreg:$0x5] =	wrdreg s23  }
0x10: {  	s21 =	rddreg [dreg:$0x3];
	s26 =	simm.s32 $0x5  }
0x11: {  	[tilespmem:s3], [sflag:$0x5] =	stream.linear.gather [hbm4b:s21+s3], $0x6400, $0x38;
	[tilespmem:$0xE800] =	vst v63  }
0x12: {  	_ =	swait.ge [sflag:s26], $0x6400  }
0x13: {  	[sflag:s26] =	ssyncset.done $0x0  }
0x14: {  	s30 =	simm.s32 $0x80;
	s22 =	simm.s32 $0x6400;
	[sflag:s26] =	ssyncadd.s32 $0xFFFF9C00  }
0x15: {  	[tilespmem:s22], [sflag:$0x1] =	stream.indirect.gather [hbm4b:s4+s30], $0x40, s3, s30, $0xb8;
	[tilespmem:$0xE800] =	vst v63  }
0x16: {  	s31 =	simm.s32 $0x8400;
	s21 =	simm.s32 $0x0  }
0x17: {  	[tilespmem:s31], [sflag:$0x2] =	stream.indirect.gather [hbm4b:s4+s30], $0x40, s30, s30, $0xb8;
	[tilespmem:$0xE800] =	vst v63  }
.LBB2_2:
0x18: {  	p0 =	seq.s32 s21, $0x0  }
0x19: {  	s22 =	simm.s32 @!p0 $0x3  }
0x1a: {  	_ =	swait.ge @!p0 [sflag:s22], $0x400  }
0x1b: {  	[sflag:s22] =	ssyncset.done @!p0 $0x0  }
0x1c: {  	[sflag:s22] =	ssyncadd.s32 @!p0 $0xFFFFFC00  }
0x1d: {  	_ =	swait.ge @!p0 [sflag:s22], $0x400  }
0x1e: {  	[sflag:s22] =	ssyncset.done @!p0 $0x0  }
0x1f: {  	[sflag:s22] =	ssyncadd.s32 @!p0 $0xFFFFFC00  }
0x20: {  	_ =	swait.ge @!p0 [sflag:s22], $0x400  }
0x21: {  	[sflag:s22] =	ssyncset.done @!p0 $0x0  }
0x22: {  	[sflag:s22] =	ssyncadd.s32 @!p0 $0xFFFFFC00  }
0x23: {  	_ =	swait.ge @!p0 [sflag:s22], $0x400  }
0x24: {  	[sflag:s22] =	ssyncset.done @!p0 $0x0  }
0x25: {  	[sflag:s22] =	ssyncadd.s32 @!p0 $0xFFFFFC00  }
0x26: {  	_ =	swait.ge @!p0 [sflag:s22], $0x400  }
0x27: {  	[sflag:s22] =	ssyncset.done @!p0 $0x0  }
0x28: {  	[sflag:s22] =	ssyncadd.s32 @!p0 $0xFFFFFC00  }
0x29: {  	_ =	swait.ge @!p0 [sflag:s22], $0x400  }
0x2a: {  	[sflag:s22] =	ssyncset.done @!p0 $0x0  }
0x2b: {  	[sflag:s22] =	ssyncadd.s32 @!p0 $0xFFFFFC00  }
0x2c: {  	_ =	swait.ge @!p0 [sflag:s22], $0x400  }
0x2d: {  	[sflag:s22] =	ssyncset.done @!p0 $0x0  }
0x2e: {  	[sflag:s22] =	ssyncadd.s32 @!p0 $0xFFFFFC00  }
0x2f: {  	_ =	swait.ge @!p0 [sflag:s22], $0x400  }
0x30: {  	[sflag:s22] =	ssyncset.done @!p0 $0x0  }
0x31: {  	[sflag:s22] =	ssyncadd.s32 @!p0 $0xFFFFFC00  }
0x32: {  	s25 =	simm.s32 $0x3;
	_ =	swait.ge [sflag:s12], $0x2000  }
0x33: {  	s26 =	simm.s32 $0x0;
	v4 =	vmov s25;
	[sflag:s12] =	ssyncset.done $0x0  }
0x34: {  	s24 =	simm.s32 $0x6480;
	s31 =	simm.s32 $0x1;
	v5 =	vand.u32 $0x7F, v4;
	v4 =	vmov s26;
	[sflag:s12] =	ssyncadd.s32 $0xFFFFE000  }
0x35: {  	v8 =	vadd.s32 v0, v5;
	v6 =	vand.u32 $0x7C, v4;
	v4 =	vmov s31;
	v7 =	vld [tilespmem:s24+$0x40]  }
0x36: {  	v10 =	vadd.s32 v0, v6;
	v11 =	vand.u32 $0x7D, v4;
	v9 =	vld [tilespmem:s24+$0xFFFFFF80]  }
0x37: {  	s23 =	simm.s32 $0x2;
	v12 =	vadd.s32 v0, v11;
	v4 =	vld [tilespmem:s24+$0xFFFFFFC0]  }
0x38: {  	v13 =	vmov s23  }
0x39: {  	v13 =	vand.u32 $0x7E, v13  }
0x3a: {  	v15 =	vadd.s32 v0, v13;
	v14 =	vld [tilespmem:s24+$0x0];
	[tilespmem:v8+s13+$0x0] =	vst.idx.msk $0xffff, v7  }
0x3b: {  	v8 =	vadd.s32 v1, v5;
	[tilespmem:v10+s13+$0x0] =	vst.idx.msk $0xffff, v9;
	v7 =	vld [tilespmem:s24+$0x50]  }
0x3c: {  	v10 =	vadd.s32 v1, v6;
	[tilespmem:v12+s13+$0x0] =	vst.idx.msk $0xffff, v4;
	v9 =	vld [tilespmem:s24+$0xFFFFFF90]  }
0x3d: {  	v12 =	vadd.s32 v1, v11;
	v4 =	vld [tilespmem:s24+$0xFFFFFFD0];
	_ =	sdelay $0x1  }
0x3e: {  	[tilespmem:v15+s13+$0x0] =	vst.idx.msk $0xffff, v14  }
0x3f: {  	v16 =	vadd.s32 v1, v13;
	v15 =	vld [tilespmem:s24+$0x10];
	[tilespmem:v8+s13+$0x0] =	vst.idx.msk $0xffff, v7  }
0x40: {  	s25 =	simm.s32 $0x7;
	v14 =	vadd.s32 v2, v5;
	[tilespmem:v10+s13+$0x0] =	vst.idx.msk $0xffff, v9;
	v7 =	vld [tilespmem:s24+$0x60]  }
0x41: {  	s23 =	simm.s32 $0x4;
	v10 =	vadd.s32 v2, v6;
	v8 =	vmov s25;
	[tilespmem:v12+s13+$0x0] =	vst.idx.msk $0xffff, v4;
	v9 =	vld [tilespmem:s24+$0xFFFFFFA0]  }
0x42: {  	v17 =	vadd.s32 v2, v11;
	v4 =	vmov s23;
	s23 =	simm.s32 $0x6580;
	v8 =	vand.u32 $0x7F, v8;
	v12 =	vld [tilespmem:s24+$0xFFFFFFE0]  }
0x43: {  	v18 =	vld [tilespmem:s23+$0x40];
	v19 =	vadd.s32 v0, v8  }
0x44: {  	s26 =	simm.s32 $0x5;
	[tilespmem:v16+s13+$0x0] =	vst.idx.msk $0xffff, v15  }
0x45: {  	v22 =	vmov s26;
	v4 =	vand.u32 $0x7C, v4;
	[tilespmem:v14+s13+$0x0] =	vst.idx.msk $0xffff, v7  }
0x46: {  	s31 =	simm.s32 $0x6;
	v20 =	vld [tilespmem:s23+$0xFFFFFF80];
	v21 =	vadd.s32 v0, v4;
	v7 =	vand.u32 $0x7D, v22;
	[tilespmem:v10+s13+$0x0] =	vst.idx.msk $0xffff, v9  }
0x47: {  	v14 =	vmov s31;
	v9 =	vld [tilespmem:s23+$0xFFFFFFC0];
	[tilespmem:v17+s13+$0x0] =	vst.idx.msk $0xffff, v12;
	v10 =	vadd.s32 v0, v7  }
0x48: {  	v16 =	vadd.s32 v3, v5;
	v12 =	vld [tilespmem:s24+$0x20];
	v5 =	vand.u32 $0x7E, v14;
	[tilespmem:v19+s13+$0x0] =	vst.idx.msk $0xffff, v18;
	v18 =	vadd.s32 v2, v13  }
0x49: {  	v14 =	vld [tilespmem:s23+$0x0];
	v63 =	vadd.s32 v0, v5  }
0x4a: {  	v15 =	vld [tilespmem:s24+$0x70]  }
0x4b: {  	[tilespmem:v21+s13+$0x0] =	vst.idx.msk $0xffff, v20;
	v20 =	vadd.s32 v1, v8;
	v19 =	vld [tilespmem:s23+$0x50]  }
0x4c: {  	v23 =	vadd.s32 v1, v4;
	v21 =	vld [tilespmem:s23+$0xFFFFFF90];
	[tilespmem:v10+s13+$0x0] =	vst.idx.msk $0xffff, v9  }
0x4d: {  	v25 =	vadd.s32 v3, v11;
	v24 =	vld [tilespmem:s24+$0xFFFFFFF0];
	[tilespmem:v18+s13+$0x0] =	vst.idx.msk $0xffff, v12  }
0x4e: {  	v18 =	vadd.s32 v1, v7;
	v17 =	vld [tilespmem:s23+$0xFFFFFFD0];
	[tilespmem:v63+s13+$0x0] =	vst.idx.msk $0xffff, v14  }
0x4f: {  	[tilespmem:v16+s13+$0x0] =	vst.idx.msk $0xffff, v15;
	v16 =	vadd.s32 v1, v5;
	v14 =	vld [tilespmem:s23+$0x10]  }
0x50: {  	v15 =	vadd.s32 v3, v13;
	[tilespmem:v20+s13+$0x0] =	vst.idx.msk $0xffff, v19;
	v10 =	vld [tilespmem:s24+$0x30]  }
0x51: {  	s30 =	simm.s32 $0xB;
	v12 =	vadd.s32 v2, v8;
	[tilespmem:v23+s13+$0x0] =	vst.idx.msk $0xffff, v21;
	v9 =	vld [tilespmem:s23+$0x60]  }
0x52: {  	s26 =	simm.s32 $0xC;
	s22 =	sshll.u32 s21, $0x1;
	s25 =	simm.s32 $0x8;
	v13 =	vadd.s32 v2, v4;
	[tilespmem:v25+s13+$0x0] =	vst.idx.msk $0xffff, v24;
	v11 =	vld [tilespmem:s23+$0xFFFFFFA0]  }
.LBB2_3:
0x53: {  	p1 =	slt.u32 s26, $0x7C;
	v19 =	vmov s30;
	[tilespmem:v18+s13+$0x0] =	vst.idx.msk $0xffff, v17;
	v17 =	vld [tilespmem:s24+$0xFFFFFFB0];
	v18 =	vadd.s32 v3, v6;
	v6 =	vmov v4;
	s24 =	smov.u32 s23  }
0x54: {  	v4 =	vmov s25;
	v21 =	vadd.s32 v2, v7;
	s23 =	sadd.s32 $0x100, s23;
	v19 =	vand.u32 $0x7F, v19;
	v20 =	vld [tilespmem:s24+$0xFFFFFFE0];
	[tilespmem:v16+s13+$0x0] =	vst.idx.msk $0xffff, v14  }
0x55: {  	s30 =	sadd.s32 $0x1, s25;
	v4 =	vand.u32 $0x7C, v4;
	v14 =	vld [tilespmem:s23+$0x40];
	v16 =	vadd.s32 v0, v19;
	[tilespmem:v15+s13+$0x0] =	vst.idx.msk $0xffff, v10  }
0x56: {  	v22 =	vmov s30;
	s30 =	sadd.s32 $0x2, s25;
	s25 =	smov.u32 s26;
	v15 =	vadd.s32 v0, v4;
	v10 =	vld [tilespmem:s23+$0xFFFFFF80];
	[tilespmem:v12+s13+$0x0] =	vst.idx.msk $0xffff, v9  }
0x57: {  	v9 =	vand.u32 $0x7D, v22;
	v12 =	vmov s30;
	[tilespmem:v13+s13+$0x0] =	vst.idx.msk $0xffff, v11;
	v11 =	vld [tilespmem:s24+$0x70];
	v13 =	vadd.s32 v3, v8;
	v8 =	vmovc v19  }
0x58: {  	v22 =	vadd.s32 v0, v9;
	v12 =	vand.u32 $0x7E, v12;
	v19 =	vld [tilespmem:s23+$0xFFFFFFC0];
	[tilespmem:v18+s13+$0x0] =	vst.idx.msk $0xffff, v17  }
0x59: {  	v24 =	vadd.s32 v0, v12;
	v23 =	vld [tilespmem:s23+$0x0];
	[tilespmem:v21+s13+$0x0] =	vst.idx.msk $0xffff, v20  }
0x5a: {  	v21 =	vadd.s32 v2, v5;
	[tilespmem:v16+s13+$0x0] =	vst.idx.msk $0xffff, v14;
	v20 =	vld [tilespmem:s24+$0x20]  }
0x5b: {  	[tilespmem:v15+s13+$0x0] =	vst.idx.msk $0xffff, v10;
	v10 =	vld [tilespmem:s23+$0x50];
	v15 =	vadd.s32 v1, v8  }
0x5c: {  	v26 =	vadd.s32 v1, v4;
	v25 =	vld [tilespmem:s23+$0xFFFFFF90];
	[tilespmem:v13+s13+$0x0] =	vst.idx.msk $0xffff, v11  }
0x5d: {  	[tilespmem:v22+s13+$0x0] =	vst.idx.msk $0xffff, v19;
	v19 =	vld [tilespmem:s24+$0xFFFFFFF0];
	v22 =	vadd.s32 v3, v7;
	v7 =	vmov v9  }
.Ltmp0:
0x5e: {  	v17 =	vld [tilespmem:s23+$0xFFFFFFD0];
	v18 =	vadd.s32 v1, v7;
	[tilespmem:v24+s13+$0x0] =	vst.idx.msk $0xffff, v23;
	(pc) =	sbr.rel @p1 .LBB2_3-.Ltmp0, $4  }
0x5f: {  	v16 =	vadd.s32 v1, v12;
	v14 =	vld [tilespmem:s23+$0x10];
	[tilespmem:v21+s13+$0x0] =	vst.idx.msk $0xffff, v20  }
0x60: {  	[tilespmem:v15+s13+$0x0] =	vst.idx.msk $0xffff, v10;
	v10 =	vld [tilespmem:s24+$0x30];
	v15 =	vadd.s32 v3, v5;
	v5 =	vmov v12  }
0x61: {  	v12 =	vadd.s32 v2, v8;
	[tilespmem:v26+s13+$0x0] =	vst.idx.msk $0xffff, v25;
	v9 =	vld [tilespmem:s23+$0x60]  }
0x62: {  	s26 =	sadd.s32 $0x4, s26;
	s30 =	sadd.s32 $0x3, s25;
	v13 =	vadd.s32 v2, v4;
	v11 =	vld [tilespmem:s23+$0xFFFFFFA0];
	[tilespmem:v22+s13+$0x0] =	vst.idx.msk $0xffff, v19  }
0x63: {  	_ =	sdelay $0x2  }
0x64: {  	v19 =	vmov s30;
	s26 =	sadd.s32 $0x1, s25  }
0x65: {  	[tilespmem:v18+s13+$0x0] =	vst.idx.msk $0xffff, v17;
	v17 =	vld [tilespmem:s24+$0xFFFFFFB0];
	v6 =	vadd.s32 v3, v6;
	s24 =	sadd.s32 $0x100, s23;
	v18 =	vand.u32 $0x7F, v19;
	v19 =	vmov s26;
	s26 =	sadd.s32 $0x2, s25  }
0x66: {  	[tilespmem:v16+s13+$0x0] =	vst.idx.msk $0xffff, v14;
	v14 =	vld [tilespmem:s24+$0x40];
	v16 =	vadd.s32 v0, v18;
	v19 =	vand.u32 $0x7D, v19;
	v20 =	vmov s26  }
0x67: {  	v21 =	vmov s25;
	[tilespmem:v15+s13+$0x0] =	vst.idx.msk $0xffff, v10;
	v10 =	vld [tilespmem:s24+$0xFFFFFFC0];
	v15 =	vadd.s32 v0, v19;
	v20 =	vand.u32 $0x7E, v20  }
0x68: {  	v21 =	vand.u32 $0x7C, v21;
	[tilespmem:v12+s13+$0x0] =	vst.idx.msk $0xffff, v9;
	v9 =	vld [tilespmem:s24+$0x0];
	v12 =	vadd.s32 v0, v20  }
0x69: {  	v22 =	vld [tilespmem:s24+$0xFFFFFF80];
	[tilespmem:v13+s13+$0x0] =	vst.idx.msk $0xffff, v11;
	v11 =	vadd.s32 v0, v21  }
0x6a: {  	v13 =	vld [tilespmem:s23+$0xFFFFFFE0];
	[tilespmem:v6+s13+$0x0] =	vst.idx.msk $0xffff, v17;
	v6 =	vadd.s32 v2, v7  }
0x6b: {  	v8 =	vadd.s32 v3, v8;
	v17 =	vld [tilespmem:s23+$0x70];
	[tilespmem:v16+s13+$0x0] =	vst.idx.msk $0xffff, v14  }
0x6c: {  	v16 =	vadd.s32 v1, v18;
	v14 =	vld [tilespmem:s24+$0x50];
	[tilespmem:v15+s13+$0x0] =	vst.idx.msk $0xffff, v10  }
0x6d: {  	v15 =	vadd.s32 v1, v19;
	v10 =	vld [tilespmem:s24+$0xFFFFFFD0];
	[tilespmem:v12+s13+$0x0] =	vst.idx.msk $0xffff, v9  }
0x6e: {  	[tilespmem:v11+s13+$0x0] =	vst.idx.msk $0xffff, v22;
	v11 =	vadd.s32 v1, v20;
	v9 =	vld [tilespmem:s24+$0x10]  }
0x6f: {  	v12 =	vadd.s32 v1, v21;
	[tilespmem:v6+s13+$0x0] =	vst.idx.msk $0xffff, v13;
	v6 =	vld [tilespmem:s24+$0xFFFFFF90]  }
0x70: {  	v60 =	vadd.s32 v2, v5;
	v13 =	vld [tilespmem:s23+$0x20];
	[tilespmem:v8+s13+$0x0] =	vst.idx.msk $0xffff, v17  }
0x71: {  	v7 =	vadd.s32 v3, v7;
	v8 =	vld [tilespmem:s23+$0xFFFFFFF0];
	[tilespmem:v16+s13+$0x0] =	vst.idx.msk $0xffff, v14  }
0x72: {  	v16 =	vadd.s32 v2, v18;
	v14 =	vld [tilespmem:s24+$0x60];
	[tilespmem:v15+s13+$0x0] =	vst.idx.msk $0xffff, v10  }
0x73: {  	v15 =	vadd.s32 v2, v19;
	v10 =	vld [tilespmem:s24+$0xFFFFFFE0];
	[tilespmem:v11+s13+$0x0] =	vst.idx.msk $0xffff, v9  }
0x74: {  	[tilespmem:v12+s13+$0x0] =	vst.idx.msk $0xffff, v6;
	v9 =	vadd.s32 v2, v20;
	v6 =	vld [tilespmem:s24+$0x20]  }
0x75: {  	[tilespmem:v60+s13+$0x0] =	vst.idx.msk $0xffff, v13;
	v12 =	vadd.s32 v2, v21;
	v11 =	vld [tilespmem:s24+$0xFFFFFFA0]  }
0x76: {  	v5 =	vadd.s32 v3, v5;
	v13 =	vld [tilespmem:s23+$0x30];
	[tilespmem:v7+s13+$0x0] =	vst.idx.msk $0xffff, v8  }
0x77: {  	v4 =	vadd.s32 v3, v4;
	v7 =	vld [tilespmem:s23+$0xFFFFFFB0];
	[tilespmem:v16+s13+$0x0] =	vst.idx.msk $0xffff, v14  }
0x78: {  	v14 =	vadd.s32 v3, v18;
	v8 =	vld [tilespmem:s24+$0x70];
	[tilespmem:v15+s13+$0x0] =	vst.idx.msk $0xffff, v10  }
0x79: {  	v15 =	vadd.s32 v3, v19;
	v10 =	vld [tilespmem:s24+$0xFFFFFFF0];
	[tilespmem:v9+s13+$0x0] =	vst.idx.msk $0xffff, v6  }
0x7a: {  	[tilespmem:v12+s13+$0x0] =	vst.idx.msk $0xffff, v11;
	v9 =	vadd.s32 v3, v20;
	v6 =	vld [tilespmem:s24+$0x30]  }
0x7b: {  	[tilespmem:v5+s13+$0x0] =	vst.idx.msk $0xffff, v13;
	v11 =	vadd.s32 v3, v21;
	v5 =	vld [tilespmem:s24+$0xFFFFFFB0]  }
0x7c: {  	[tilespmem:v4+s13+$0x0] =	vst.idx.msk $0xffff, v7  }
0x7d: {  	p1 =	seq.s32 s21, $0x63;
	[tilespmem:v14+s13+$0x0] =	vst.idx.msk $0xffff, v8  }
0x7e: {  	s23 =	sshll.u32 @!p1 s21, $0x8;
	[tilespmem:v15+s13+$0x0] =	vst.idx.msk $0xffff, v10  }
0x7f: {  	s23 =	sand.u32 @!p1 $0x3FFFFF00, s23;
	[tilespmem:v9+s13+$0x0] =	vst.idx.msk $0xffff, v6  }
0x80: {  	s25 =	simm.s32 @!p1 $0x80;
	s26 =	simm.s32 @!p1 $0x6400;
	s24 =	sadd.s32 @!p1 $0x100, s23;
	[tilespmem:v11+s13+$0x0] =	vst.idx.msk $0xffff, v5  }
0x81: {  	[tilespmem:s26], [sflag:$0x1] =	stream.indirect.gather @!p1 [hbm4b:s4+s25], $0x40, s24, s25, $0xb8;
	[tilespmem:$0xE800] =	vst v63  }
0x82: {  	s24 =	sadd.s32 s5, s22  }
0x83: {  	s25 =	sshrl.u32 s24, $0x5  }
0x84: {  	s24 =	sshll.u32 s24, $0xA;
	s26 =	sshll.u32 s25, $0xF  }
0x85: {  	s25 =	sshll.u32 s25, $0x12;
	s24 =	ssub.s32 s24, s26  }
0x86: {  	s24 =	sadd.s32 s25, s24  }
0x87: {  	s25 =	sshrl.u32 s24, $0x3  }
0x88: {  	s25 =	sadd.s32 s2, s25  }
0x89: {  	[hbm4b:s25+s3] =	stream.linear.scatter [tilespmem:s13], [sflag:$0x3], $0x80, $0x38;
	[tilespmem:$0xE800] =	vst v63  }
0x8a: {  	s30 =	simm.s32 $0xA488;
	s26 =	sadd.s32 $0x10, s25  }
0x8b: {  	[hbm4b:s26+s3] =	stream.linear.scatter [tilespmem:s30], [sflag:$0x3], $0x80, $0x38;
	[tilespmem:$0xE800] =	vst v63  }
0x8c: {  	s26 =	sadd.s32 $0x20, s25;
	s30 =	simm.s32 $0xA510  }
0x8d: {  	[hbm4b:s26+s3] =	stream.linear.scatter [tilespmem:s30], [sflag:$0x3], $0x80, $0x38;
	[tilespmem:$0xE800] =	vst v63  }
0x8e: {  	s26 =	sadd.s32 $0x30, s25;
	s30 =	simm.s32 $0xA598  }
0x8f: {  	[hbm4b:s26+s3] =	stream.linear.scatter [tilespmem:s30], [sflag:$0x3], $0x80, $0x38;
	[tilespmem:$0xE800] =	vst v63  }
0x90: {  	s26 =	sadd.s32 $0x40, s25;
	s30 =	simm.s32 $0xA620  }
0x91: {  	[hbm4b:s26+s3] =	stream.linear.scatter [tilespmem:s30], [sflag:$0x3], $0x80, $0x38;
	[tilespmem:$0xE800] =	vst v63  }
0x92: {  	s26 =	sadd.s32 $0x50, s25;
	s30 =	simm.s32 $0xA6A8  }
0x93: {  	[hbm4b:s26+s3] =	stream.linear.scatter [tilespmem:s30], [sflag:$0x3], $0x80, $0x38;
	[tilespmem:$0xE800] =	vst v63  }
0x94: {  	s26 =	sadd.s32 $0x60, s25;
	s30 =	simm.s32 $0xA730  }
0x95: {  	[hbm4b:s26+s3] =	stream.linear.scatter [tilespmem:s30], [sflag:$0x3], $0x80, $0x38;
	[tilespmem:$0xE800] =	vst v63  }
0x96: {  	s25 =	sadd.s32 $0x70, s25;
	s26 =	simm.s32 $0xA7B8  }
0x97: {  	[hbm4b:s25+s3] =	stream.linear.scatter [tilespmem:s26], [sflag:$0x3], $0x80, $0x38;
	[tilespmem:$0xE800] =	vst v63  }
0x98: {  	s26 =	sadd.s32 $0x8000, s24  }
0x99: {  	s25 =	sshrl.u32 s26, $0x3  }
0x9a: {  	s26 =	simm.s32 $0xA840;
	s25 =	sadd.s32 s2, s25  }
0x9b: {  	[hbm4b:s25+s3] =	stream.linear.scatter [tilespmem:s26], [sflag:$0x3], $0x80, $0x38;
	[tilespmem:$0xE800] =	vst v63  }
0x9c: {  	s30 =	simm.s32 $0xA8C8;
	s26 =	sadd.s32 $0x10, s25  }
0x9d: {  	[hbm4b:s26+s3] =	stream.linear.scatter [tilespmem:s30], [sflag:$0x3], $0x80, $0x38;
	[tilespmem:$0xE800] =	vst v63  }
0x9e: {  	s26 =	sadd.s32 $0x20, s25;
	s30 =	simm.s32 $0xA950  }
0x9f: {  	[hbm4b:s26+s3] =	stream.linear.scatter [tilespmem:s30], [sflag:$0x3], $0x80, $0x38;
	[tilespmem:$0xE800] =	vst v63  }
0xa0: {  	s26 =	sadd.s32 $0x30, s25;
	s30 =	simm.s32 $0xA9D8  }
0xa1: {  	[hbm4b:s26+s3] =	stream.linear.scatter [tilespmem:s30], [sflag:$0x3], $0x80, $0x38;
	[tilespmem:$0xE800] =	vst v63  }
0xa2: {  	s26 =	sadd.s32 $0x40, s25;
	s30 =	simm.s32 $0xAA60  }
0xa3: {  	[hbm4b:s26+s3] =	stream.linear.scatter [tilespmem:s30], [sflag:$0x3], $0x80, $0x38;
	[tilespmem:$0xE800] =	vst v63  }
0xa4: {  	s26 =	sadd.s32 $0x50, s25;
	s30 =	simm.s32 $0xAAE8  }
0xa5: {  	[hbm4b:s26+s3] =	stream.linear.scatter [tilespmem:s30], [sflag:$0x3], $0x80, $0x38;
	[tilespmem:$0xE800] =	vst v63  }
0xa6: {  	s26 =	sadd.s32 $0x60, s25;
	s30 =	simm.s32 $0xAB70  }
0xa7: {  	[hbm4b:s26+s3] =	stream.linear.scatter [tilespmem:s30], [sflag:$0x3], $0x80, $0x38;
	[tilespmem:$0xE800] =	vst v63  }
0xa8: {  	s25 =	sadd.s32 $0x70, s25;
	s26 =	simm.s32 $0xABF8  }
0xa9: {  	[hbm4b:s25+s3] =	stream.linear.scatter [tilespmem:s26], [sflag:$0x3], $0x80, $0x38;
	[tilespmem:$0xE800] =	vst v63  }
0xaa: {  	s26 =	sadd.s32 $0x10000, s24  }
0xab: {  	s25 =	sshrl.u32 s26, $0x3  }
0xac: {  	s26 =	simm.s32 $0xAC80;
	s25 =	sadd.s32 s2, s25  }
0xad: {  	[hbm4b:s25+s3] =	stream.linear.scatter [tilespmem:s26], [sflag:$0x3], $0x80, $0x38;
	[tilespmem:$0xE800] =	vst v63  }
0xae: {  	s30 =	simm.s32 $0xAD08;
	s26 =	sadd.s32 $0x10, s25  }
0xaf: {  	[hbm4b:s26+s3] =	stream.linear.scatter [tilespmem:s30], [sflag:$0x3], $0x80, $0x38;
	[tilespmem:$0xE800] =	vst v63  }
0xb0: {  	s26 =	sadd.s32 $0x20, s25;
	s30 =	simm.s32 $0xAD90  }
0xb1: {  	[hbm4b:s26+s3] =	stream.linear.scatter [tilespmem:s30], [sflag:$0x3], $0x80, $0x38;
	[tilespmem:$0xE800] =	vst v63  }
0xb2: {  	s26 =	sadd.s32 $0x30, s25;
	s30 =	simm.s32 $0xAE18  }
0xb3: {  	[hbm4b:s26+s3] =	stream.linear.scatter [tilespmem:s30], [sflag:$0x3], $0x80, $0x38;
	[tilespmem:$0xE800] =	vst v63  }
0xb4: {  	s26 =	sadd.s32 $0x40, s25;
	s30 =	simm.s32 $0xAEA0  }
0xb5: {  	[hbm4b:s26+s3] =	stream.linear.scatter [tilespmem:s30], [sflag:$0x3], $0x80, $0x38;
	[tilespmem:$0xE800] =	vst v63  }
0xb6: {  	s26 =	sadd.s32 $0x50, s25;
	s30 =	simm.s32 $0xAF28  }
0xb7: {  	[hbm4b:s26+s3] =	stream.linear.scatter [tilespmem:s30], [sflag:$0x3], $0x80, $0x38;
	[tilespmem:$0xE800] =	vst v63  }
0xb8: {  	s26 =	sadd.s32 $0x60, s25;
	s30 =	simm.s32 $0xAFB0  }
0xb9: {  	[hbm4b:s26+s3] =	stream.linear.scatter [tilespmem:s30], [sflag:$0x3], $0x80, $0x38;
	[tilespmem:$0xE800] =	vst v63  }
0xba: {  	s25 =	sadd.s32 $0x70, s25;
	s26 =	simm.s32 $0xB038  }
0xbb: {  	[hbm4b:s25+s3] =	stream.linear.scatter [tilespmem:s26], [sflag:$0x3], $0x80, $0x38;
	[tilespmem:$0xE800] =	vst v63  }
0xbc: {  	s26 =	sadd.s32 $0x18000, s24  }
0xbd: {  	s25 =	sshrl.u32 s26, $0x3  }
0xbe: {  	s26 =	simm.s32 $0xB0C0;
	s25 =	sadd.s32 s2, s25  }
0xbf: {  	[hbm4b:s25+s3] =	stream.linear.scatter [tilespmem:s26], [sflag:$0x3], $0x80, $0x38;
	[tilespmem:$0xE800] =	vst v63  }
0xc0: {  	s30 =	simm.s32 $0xB148;
	s26 =	sadd.s32 $0x10, s25  }
0xc1: {  	[hbm4b:s26+s3] =	stream.linear.scatter [tilespmem:s30], [sflag:$0x3], $0x80, $0x38;
	[tilespmem:$0xE800] =	vst v63  }
0xc2: {  	s26 =	sadd.s32 $0x20, s25;
	s30 =	simm.s32 $0xB1D0  }
0xc3: {  	[hbm4b:s26+s3] =	stream.linear.scatter [tilespmem:s30], [sflag:$0x3], $0x80, $0x38;
	[tilespmem:$0xE800] =	vst v63  }
0xc4: {  	s26 =	sadd.s32 $0x30, s25;
	s30 =	simm.s32 $0xB258  }
0xc5: {  	[hbm4b:s26+s3] =	stream.linear.scatter [tilespmem:s30], [sflag:$0x3], $0x80, $0x38;
	[tilespmem:$0xE800] =	vst v63  }
0xc6: {  	s26 =	sadd.s32 $0x40, s25;
	s30 =	simm.s32 $0xB2E0  }
0xc7: {  	[hbm4b:s26+s3] =	stream.linear.scatter [tilespmem:s30], [sflag:$0x3], $0x80, $0x38;
	[tilespmem:$0xE800] =	vst v63  }
0xc8: {  	s26 =	sadd.s32 $0x50, s25;
	s30 =	simm.s32 $0xB368  }
0xc9: {  	[hbm4b:s26+s3] =	stream.linear.scatter [tilespmem:s30], [sflag:$0x3], $0x80, $0x38;
	[tilespmem:$0xE800] =	vst v63  }
0xca: {  	s26 =	sadd.s32 $0x60, s25;
	s30 =	simm.s32 $0xB3F0  }
0xcb: {  	[hbm4b:s26+s3] =	stream.linear.scatter [tilespmem:s30], [sflag:$0x3], $0x80, $0x38;
	[tilespmem:$0xE800] =	vst v63  }
0xcc: {  	s25 =	sadd.s32 $0x70, s25;
	s26 =	simm.s32 $0xB478  }
0xcd: {  	[hbm4b:s25+s3] =	stream.linear.scatter [tilespmem:s26], [sflag:$0x3], $0x80, $0x38;
	[tilespmem:$0xE800] =	vst v63  }
0xce: {  	s26 =	sadd.s32 $0x20000, s24  }
0xcf: {  	s25 =	sshrl.u32 s26, $0x3  }
0xd0: {  	s26 =	simm.s32 $0xB500;
	s25 =	sadd.s32 s2, s25  }
0xd1: {  	[hbm4b:s25+s3] =	stream.linear.scatter [tilespmem:s26], [sflag:$0x3], $0x80, $0x38;
	[tilespmem:$0xE800] =	vst v63  }
0xd2: {  	s30 =	simm.s32 $0xB588;
	s26 =	sadd.s32 $0x10, s25  }
0xd3: {  	[hbm4b:s26+s3] =	stream.linear.scatter [tilespmem:s30], [sflag:$0x3], $0x80, $0x38;
	[tilespmem:$0xE800] =	vst v63  }
0xd4: {  	s26 =	sadd.s32 $0x20, s25;
	s30 =	simm.s32 $0xB610  }
0xd5: {  	[hbm4b:s26+s3] =	stream.linear.scatter [tilespmem:s30], [sflag:$0x3], $0x80, $0x38;
	[tilespmem:$0xE800] =	vst v63  }
0xd6: {  	s26 =	sadd.s32 $0x30, s25;
	s30 =	simm.s32 $0xB698  }
0xd7: {  	[hbm4b:s26+s3] =	stream.linear.scatter [tilespmem:s30], [sflag:$0x3], $0x80, $0x38;
	[tilespmem:$0xE800] =	vst v63  }
0xd8: {  	s26 =	sadd.s32 $0x40, s25;
	s30 =	simm.s32 $0xB720  }
0xd9: {  	[hbm4b:s26+s3] =	stream.linear.scatter [tilespmem:s30], [sflag:$0x3], $0x80, $0x38;
	[tilespmem:$0xE800] =	vst v63  }
0xda: {  	s26 =	sadd.s32 $0x50, s25;
	s30 =	simm.s32 $0xB7A8  }
0xdb: {  	[hbm4b:s26+s3] =	stream.linear.scatter [tilespmem:s30], [sflag:$0x3], $0x80, $0x38;
	[tilespmem:$0xE800] =	vst v63  }
0xdc: {  	s26 =	sadd.s32 $0x60, s25;
	s30 =	simm.s32 $0xB830  }
0xdd: {  	[hbm4b:s26+s3] =	stream.linear.scatter [tilespmem:s30], [sflag:$0x3], $0x80, $0x38;
	[tilespmem:$0xE800] =	vst v63  }
0xde: {  	s25 =	sadd.s32 $0x70, s25;
	s26 =	simm.s32 $0xB8B8  }
0xdf: {  	[hbm4b:s25+s3] =	stream.linear.scatter [tilespmem:s26], [sflag:$0x3], $0x80, $0x38;
	[tilespmem:$0xE800] =	vst v63  }
0xe0: {  	s26 =	sadd.s32 $0x28000, s24  }
0xe1: {  	s25 =	sshrl.u32 s26, $0x3  }
0xe2: {  	s26 =	simm.s32 $0xB940;
	s25 =	sadd.s32 s2, s25  }
0xe3: {  	[hbm4b:s25+s3] =	stream.linear.scatter [tilespmem:s26], [sflag:$0x3], $0x80, $0x38;
	[tilespmem:$0xE800] =	vst v63  }
0xe4: {  	s30 =	simm.s32 $0xB9C8;
	s26 =	sadd.s32 $0x10, s25  }
0xe5: {  	[hbm4b:s26+s3] =	stream.linear.scatter [tilespmem:s30], [sflag:$0x3], $0x80, $0x38;
	[tilespmem:$0xE800] =	vst v63  }
0xe6: {  	s26 =	sadd.s32 $0x20, s25;
	s30 =	simm.s32 $0xBA50  }
0xe7: {  	[hbm4b:s26+s3] =	stream.linear.scatter [tilespmem:s30], [sflag:$0x3], $0x80, $0x38;
	[tilespmem:$0xE800] =	vst v63  }
0xe8: {  	s26 =	sadd.s32 $0x30, s25;
	s30 =	simm.s32 $0xBAD8  }
0xe9: {  	[hbm4b:s26+s3] =	stream.linear.scatter [tilespmem:s30], [sflag:$0x3], $0x80, $0x38;
	[tilespmem:$0xE800] =	vst v63  }
0xea: {  	s26 =	sadd.s32 $0x40, s25;
	s30 =	simm.s32 $0xBB60  }
0xeb: {  	[hbm4b:s26+s3] =	stream.linear.scatter [tilespmem:s30], [sflag:$0x3], $0x80, $0x38;
	[tilespmem:$0xE800] =	vst v63  }
0xec: {  	s26 =	sadd.s32 $0x50, s25;
	s30 =	simm.s32 $0xBBE8  }
0xed: {  	[hbm4b:s26+s3] =	stream.linear.scatter [tilespmem:s30], [sflag:$0x3], $0x80, $0x38;
	[tilespmem:$0xE800] =	vst v63  }
0xee: {  	s26 =	sadd.s32 $0x60, s25;
	s30 =	simm.s32 $0xBC70  }
0xef: {  	[hbm4b:s26+s3] =	stream.linear.scatter [tilespmem:s30], [sflag:$0x3], $0x80, $0x38;
	[tilespmem:$0xE800] =	vst v63  }
0xf0: {  	s25 =	sadd.s32 $0x70, s25;
	s26 =	simm.s32 $0xBCF8  }
0xf1: {  	[hbm4b:s25+s3] =	stream.linear.scatter [tilespmem:s26], [sflag:$0x3], $0x80, $0x38;
	[tilespmem:$0xE800] =	vst v63  }
0xf2: {  	s26 =	sadd.s32 $0x30000, s24  }
0xf3: {  	s25 =	sshrl.u32 s26, $0x3  }
0xf4: {  	s26 =	simm.s32 $0xBD80;
	s25 =	sadd.s32 s2, s25  }
0xf5: {  	[hbm4b:s25+s3] =	stream.linear.scatter [tilespmem:s26], [sflag:$0x3], $0x80, $0x38;
	[tilespmem:$0xE800] =	vst v63  }
0xf6: {  	s30 =	simm.s32 $0xBE08;
	s26 =	sadd.s32 $0x10, s25  }
0xf7: {  	[hbm4b:s26+s3] =	stream.linear.scatter [tilespmem:s30], [sflag:$0x3], $0x80, $0x38;
	[tilespmem:$0xE800] =	vst v63  }
0xf8: {  	s26 =	sadd.s32 $0x20, s25;
	s30 =	simm.s32 $0xBE90  }
0xf9: {  	[hbm4b:s26+s3] =	stream.linear.scatter [tilespmem:s30], [sflag:$0x3], $0x80, $0x38;
	[tilespmem:$0xE800] =	vst v63  }
0xfa: {  	s26 =	sadd.s32 $0x30, s25;
	s30 =	simm.s32 $0xBF18  }
0xfb: {  	[hbm4b:s26+s3] =	stream.linear.scatter [tilespmem:s30], [sflag:$0x3], $0x80, $0x38;
	[tilespmem:$0xE800] =	vst v63  }
0xfc: {  	s26 =	sadd.s32 $0x40, s25;
	s30 =	simm.s32 $0xBFA0  }
0xfd: {  	[hbm4b:s26+s3] =	stream.linear.scatter [tilespmem:s30], [sflag:$0x3], $0x80, $0x38;
	[tilespmem:$0xE800] =	vst v63  }
0xfe: {  	s26 =	sadd.s32 $0x50, s25;
	s30 =	simm.s32 $0xC028  }
0xff: {  	[hbm4b:s26+s3] =	stream.linear.scatter [tilespmem:s30], [sflag:$0x3], $0x80, $0x38;
	[tilespmem:$0xE800] =	vst v63  }
0x100: {  	s24 =	sadd.s32 $0x38000, s24;
	s26 =	sadd.s32 $0x60, s25;
	s30 =	simm.s32 $0xC0B0  }
0x101: {  	[hbm4b:s26+s3] =	stream.linear.scatter [tilespmem:s30], [sflag:$0x3], $0x80, $0x38;
	[tilespmem:$0xE800] =	vst v63  }
0x102: {  	s24 =	sshrl.u32 s24, $0x3;
	s25 =	sadd.s32 $0x70, s25;
	s26 =	simm.s32 $0xC138  }
0x103: {  	[hbm4b:s25+s3] =	stream.linear.scatter [tilespmem:s26], [sflag:$0x3], $0x80, $0x38;
	[tilespmem:$0xE800] =	vst v63  }
0x104: {  	s24 =	sadd.s32 s2, s24;
	s26 =	simm.s32 $0xC1C0  }
0x105: {  	[hbm4b:s24+s3] =	stream.linear.scatter [tilespmem:s26], [sflag:$0x3], $0x80, $0x38;
	[tilespmem:$0xE800] =	vst v63  }
0x106: {  	s25 =	sadd.s32 $0x10, s24;
	s26 =	simm.s32 $0xC248  }
0x107: {  	[hbm4b:s25+s3] =	stream.linear.scatter [tilespmem:s26], [sflag:$0x3], $0x80, $0x38;
	[tilespmem:$0xE800] =	vst v63  }
0x108: {  	s25 =	sadd.s32 $0x20, s24;
	s26 =	simm.s32 $0xC2D0  }
0x109: {  	[hbm4b:s25+s3] =	stream.linear.scatter [tilespmem:s26], [sflag:$0x3], $0x80, $0x38;
	[tilespmem:$0xE800] =	vst v63  }
0x10a: {  	s25 =	sadd.s32 $0x30, s24;
	s26 =	simm.s32 $0xC358  }
0x10b: {  	[hbm4b:s25+s3] =	stream.linear.scatter [tilespmem:s26], [sflag:$0x3], $0x80, $0x38;
	[tilespmem:$0xE800] =	vst v63  }
0x10c: {  	s25 =	sadd.s32 $0x40, s24;
	s26 =	simm.s32 $0xC3E0  }
0x10d: {  	[hbm4b:s25+s3] =	stream.linear.scatter [tilespmem:s26], [sflag:$0x3], $0x80, $0x38;
	[tilespmem:$0xE800] =	vst v63  }
0x10e: {  	s25 =	sadd.s32 $0x50, s24;
	s26 =	simm.s32 $0xC468  }
0x10f: {  	[hbm4b:s25+s3] =	stream.linear.scatter [tilespmem:s26], [sflag:$0x3], $0x80, $0x38;
	[tilespmem:$0xE800] =	vst v63  }
0x110: {  	s25 =	sadd.s32 $0x60, s24;
	s26 =	simm.s32 $0xC4F0  }
0x111: {  	[hbm4b:s25+s3] =	stream.linear.scatter [tilespmem:s26], [sflag:$0x3], $0x80, $0x38;
	[tilespmem:$0xE800] =	vst v63  }
0x112: {  	s24 =	sadd.s32 $0x70, s24;
	s26 =	simm.s32 $0xC578  }
0x113: {  	[hbm4b:s24+s3] =	stream.linear.scatter [tilespmem:s26], [sflag:$0x3], $0x80, $0x38;
	[tilespmem:$0xE800] =	vst v63  }
0x114: {  	s24 =	simm.s32 @!p0 $0x4  }
0x115: {  	_ =	swait.ge @!p0 [sflag:s24], $0x400  }
0x116: {  	[sflag:s24] =	ssyncset.done @!p0 $0x0  }
0x117: {  	[sflag:s24] =	ssyncadd.s32 @!p0 $0xFFFFFC00  }
0x118: {  	_ =	swait.ge @!p0 [sflag:s24], $0x400  }
0x119: {  	[sflag:s24] =	ssyncset.done @!p0 $0x0  }
0x11a: {  	[sflag:s24] =	ssyncadd.s32 @!p0 $0xFFFFFC00  }
0x11b: {  	_ =	swait.ge @!p0 [sflag:s24], $0x400  }
0x11c: {  	[sflag:s24] =	ssyncset.done @!p0 $0x0  }
0x11d: {  	[sflag:s24] =	ssyncadd.s32 @!p0 $0xFFFFFC00  }
0x11e: {  	_ =	swait.ge @!p0 [sflag:s24], $0x400  }
0x11f: {  	[sflag:s24] =	ssyncset.done @!p0 $0x0  }
0x120: {  	[sflag:s24] =	ssyncadd.s32 @!p0 $0xFFFFFC00  }
0x121: {  	_ =	swait.ge @!p0 [sflag:s24], $0x400  }
0x122: {  	[sflag:s24] =	ssyncset.done @!p0 $0x0  }
0x123: {  	[sflag:s24] =	ssyncadd.s32 @!p0 $0xFFFFFC00  }
0x124: {  	_ =	swait.ge @!p0 [sflag:s24], $0x400  }
0x125: {  	[sflag:s24] =	ssyncset.done @!p0 $0x0  }
0x126: {  	[sflag:s24] =	ssyncadd.s32 @!p0 $0xFFFFFC00  }
0x127: {  	_ =	swait.ge @!p0 [sflag:s24], $0x400  }
0x128: {  	[sflag:s24] =	ssyncset.done @!p0 $0x0  }
0x129: {  	[sflag:s24] =	ssyncadd.s32 @!p0 $0xFFFFFC00  }
0x12a: {  	_ =	swait.ge @!p0 [sflag:s24], $0x400  }
0x12b: {  	[sflag:s24] =	ssyncset.done @!p0 $0x0  }
0x12c: {  	[sflag:s24] =	ssyncadd.s32 @!p0 $0xFFFFFC00  }
0x12d: {  	s25 =	simm.s32 $0x3;
	_ =	swait.ge [sflag:s28], $0x2000  }
0x12e: {  	v4 =	vmov s25;
	s26 =	simm.s32 $0x0;
	[sflag:s28] =	ssyncset.done $0x0  }
0x12f: {  	s25 =	simm.s32 $0x8480;
	v5 =	vand.u32 $0x7F, v4;
	v4 =	vmov s26;
	s26 =	simm.s32 $0x1;
	[sflag:s28] =	ssyncadd.s32 $0xFFFFE000  }
0x130: {  	v8 =	vadd.s32 v0, v5;
	v6 =	vand.u32 $0x7C, v4;
	v4 =	vmov s26;
	v7 =	vld [tilespmem:s25+$0x40]  }
0x131: {  	v10 =	vadd.s32 v0, v6;
	v11 =	vand.u32 $0x7D, v4;
	v9 =	vld [tilespmem:s25+$0xFFFFFF80]  }
0x132: {  	s26 =	simm.s32 $0x2;
	v12 =	vadd.s32 v0, v11;
	v4 =	vld [tilespmem:s25+$0xFFFFFFC0]  }
0x133: {  	v13 =	vmov s26  }
0x134: {  	v13 =	vand.u32 $0x7E, v13  }
0x135: {  	v15 =	vadd.s32 v0, v13;
	v14 =	vld [tilespmem:s25+$0x0];
	[tilespmem:v8+s29+$0x0] =	vst.idx.msk $0xffff, v7  }
0x136: {  	v8 =	vadd.s32 v1, v5;
	[tilespmem:v10+s29+$0x0] =	vst.idx.msk $0xffff, v9;
	v7 =	vld [tilespmem:s25+$0x50]  }
0x137: {  	v10 =	vadd.s32 v1, v6;
	[tilespmem:v12+s29+$0x0] =	vst.idx.msk $0xffff, v4;
	v9 =	vld [tilespmem:s25+$0xFFFFFF90]  }
0x138: {  	v12 =	vadd.s32 v1, v11;
	v4 =	vld [tilespmem:s25+$0xFFFFFFD0];
	_ =	sdelay $0x1  }
0x139: {  	[tilespmem:v15+s29+$0x0] =	vst.idx.msk $0xffff, v14  }
0x13a: {  	v16 =	vadd.s32 v1, v13;
	v15 =	vld [tilespmem:s25+$0x10];
	[tilespmem:v8+s29+$0x0] =	vst.idx.msk $0xffff, v7  }
0x13b: {  	s24 =	simm.s32 $0x7;
	v14 =	vadd.s32 v2, v5;
	[tilespmem:v10+s29+$0x0] =	vst.idx.msk $0xffff, v9;
	v7 =	vld [tilespmem:s25+$0x60]  }
0x13c: {  	v10 =	vadd.s32 v2, v6;
	v8 =	vmov s24;
	[tilespmem:v12+s29+$0x0] =	vst.idx.msk $0xffff, v4;
	v9 =	vld [tilespmem:s25+$0xFFFFFFA0]  }
0x13d: {  	v17 =	vadd.s32 v2, v11;
	s24 =	simm.s32 $0x8580;
	v8 =	vand.u32 $0x7F, v8;
	v12 =	vld [tilespmem:s25+$0xFFFFFFE0]  }
0x13e: {  	s26 =	simm.s32 $0x4;
	v18 =	vld [tilespmem:s24+$0x40];
	v19 =	vadd.s32 v0, v8  }
0x13f: {  	v4 =	vmov s26;
	s26 =	simm.s32 $0x5;
	[tilespmem:v16+s29+$0x0] =	vst.idx.msk $0xffff, v15  }
0x140: {  	v4 =	vand.u32 $0x7C, v4;
	v62 =	vmov s26;
	[tilespmem:v14+s29+$0x0] =	vst.idx.msk $0xffff, v7  }
0x141: {  	v20 =	vld [tilespmem:s24+$0xFFFFFF80];
	s26 =	simm.s32 $0x6;
	v61 =	vadd.s32 v0, v4;
	v7 =	vand.u32 $0x7D, v62;
	[tilespmem:v10+s29+$0x0] =	vst.idx.msk $0xffff, v9  }
0x142: {  	v14 =	vmov s26;
	v9 =	vld [tilespmem:s24+$0xFFFFFFC0];
	[tilespmem:v17+s29+$0x0] =	vst.idx.msk $0xffff, v12;
	v10 =	vadd.s32 v0, v7  }
0x143: {  	v16 =	vadd.s32 v3, v5;
	v12 =	vld [tilespmem:s25+$0x20];
	v5 =	vand.u32 $0x7E, v14;
	[tilespmem:v19+s29+$0x0] =	vst.idx.msk $0xffff, v18;
	v18 =	vadd.s32 v2, v13  }
0x144: {  	v14 =	vld [tilespmem:s24+$0x0];
	v63 =	vadd.s32 v0, v5  }
0x145: {  	v15 =	vld [tilespmem:s25+$0x70]  }
0x146: {  	[tilespmem:v61+s29+$0x0] =	vst.idx.msk $0xffff, v20;
	v20 =	vadd.s32 v1, v8;
	v19 =	vld [tilespmem:s24+$0x50]  }
0x147: {  	v23 =	vadd.s32 v1, v4;
	v21 =	vld [tilespmem:s24+$0xFFFFFF90];
	[tilespmem:v10+s29+$0x0] =	vst.idx.msk $0xffff, v9  }
0x148: {  	v25 =	vadd.s32 v3, v11;
	v24 =	vld [tilespmem:s25+$0xFFFFFFF0];
	[tilespmem:v18+s29+$0x0] =	vst.idx.msk $0xffff, v12  }
0x149: {  	v18 =	vadd.s32 v1, v7;
	v17 =	vld [tilespmem:s24+$0xFFFFFFD0];
	[tilespmem:v63+s29+$0x0] =	vst.idx.msk $0xffff, v14  }
0x14a: {  	[tilespmem:v16+s29+$0x0] =	vst.idx.msk $0xffff, v15;
	v16 =	vadd.s32 v1, v5;
	v14 =	vld [tilespmem:s24+$0x10]  }
0x14b: {  	v15 =	vadd.s32 v3, v13;
	[tilespmem:v20+s29+$0x0] =	vst.idx.msk $0xffff, v19;
	v11 =	vld [tilespmem:s25+$0x30]  }
0x14c: {  	v12 =	vadd.s32 v2, v8;
	[tilespmem:v23+s29+$0x0] =	vst.idx.msk $0xffff, v21;
	v9 =	vld [tilespmem:s24+$0x60]  }
0x14d: {  	s31 =	simm.s32 $0xB;
	s30 =	simm.s32 $0xC;
	s26 =	simm.s32 $0x8;
	v13 =	vadd.s32 v2, v4;
	[tilespmem:v25+s29+$0x0] =	vst.idx.msk $0xffff, v24;
	v10 =	vld [tilespmem:s24+$0xFFFFFFA0]  }
.LBB2_5:
0x14e: {  	p0 =	slt.u32 s30, $0x7C;
	v19 =	vmov s31;
	[tilespmem:v18+s29+$0x0] =	vst.idx.msk $0xffff, v17;
	v17 =	vld [tilespmem:s25+$0xFFFFFFB0];
	v18 =	vadd.s32 v3, v6;
	v6 =	vmov v4;
	s25 =	smov.u32 s24  }
0x14f: {  	v4 =	vmov s26;
	v21 =	vadd.s32 v2, v7;
	s24 =	sadd.s32 $0x100, s24;
	v19 =	vand.u32 $0x7F, v19;
	v20 =	vld [tilespmem:s25+$0xFFFFFFE0];
	[tilespmem:v16+s29+$0x0] =	vst.idx.msk $0xffff, v14  }
0x150: {  	s31 =	sadd.s32 $0x1, s26;
	v4 =	vand.u32 $0x7C, v4;
	v14 =	vld [tilespmem:s24+$0x40];
	v16 =	vadd.s32 v0, v19;
	[tilespmem:v15+s29+$0x0] =	vst.idx.msk $0xffff, v11  }
0x151: {  	v22 =	vmov s31;
	s31 =	sadd.s32 $0x2, s26;
	s26 =	smov.u32 s30;
	v15 =	vadd.s32 v0, v4;
	v11 =	vld [tilespmem:s24+$0xFFFFFF80];
	[tilespmem:v12+s29+$0x0] =	vst.idx.msk $0xffff, v9  }
0x152: {  	v9 =	vand.u32 $0x7D, v22;
	v12 =	vmov s31;
	[tilespmem:v13+s29+$0x0] =	vst.idx.msk $0xffff, v10;
	v10 =	vld [tilespmem:s25+$0x70];
	v13 =	vadd.s32 v3, v8;
	v8 =	vmovc v19  }
0x153: {  	v22 =	vadd.s32 v0, v9;
	v12 =	vand.u32 $0x7E, v12;
	v19 =	vld [tilespmem:s24+$0xFFFFFFC0];
	[tilespmem:v18+s29+$0x0] =	vst.idx.msk $0xffff, v17  }
0x154: {  	v24 =	vadd.s32 v0, v12;
	v23 =	vld [tilespmem:s24+$0x0];
	[tilespmem:v21+s29+$0x0] =	vst.idx.msk $0xffff, v20  }
0x155: {  	v21 =	vadd.s32 v2, v5;
	[tilespmem:v16+s29+$0x0] =	vst.idx.msk $0xffff, v14;
	v20 =	vld [tilespmem:s25+$0x20]  }
0x156: {  	[tilespmem:v15+s29+$0x0] =	vst.idx.msk $0xffff, v11;
	v11 =	vld [tilespmem:s24+$0x50];
	v15 =	vadd.s32 v1, v8  }
0x157: {  	v26 =	vadd.s32 v1, v4;
	v25 =	vld [tilespmem:s24+$0xFFFFFF90];
	[tilespmem:v13+s29+$0x0] =	vst.idx.msk $0xffff, v10  }
0x158: {  	[tilespmem:v22+s29+$0x0] =	vst.idx.msk $0xffff, v19;
	v19 =	vld [tilespmem:s25+$0xFFFFFFF0];
	v22 =	vadd.s32 v3, v7;
	v7 =	vmov v9  }
.Ltmp1:
0x159: {  	v17 =	vld [tilespmem:s24+$0xFFFFFFD0];
	v18 =	vadd.s32 v1, v7;
	[tilespmem:v24+s29+$0x0] =	vst.idx.msk $0xffff, v23;
	(pc) =	sbr.rel @p0 .LBB2_5-.Ltmp1, $4  }
0x15a: {  	v16 =	vadd.s32 v1, v12;
	v14 =	vld [tilespmem:s24+$0x10];
	[tilespmem:v21+s29+$0x0] =	vst.idx.msk $0xffff, v20  }
0x15b: {  	[tilespmem:v15+s29+$0x0] =	vst.idx.msk $0xffff, v11;
	v11 =	vld [tilespmem:s25+$0x30];
	v15 =	vadd.s32 v3, v5;
	v5 =	vmov v12  }
0x15c: {  	v12 =	vadd.s32 v2, v8;
	[tilespmem:v26+s29+$0x0] =	vst.idx.msk $0xffff, v25;
	v9 =	vld [tilespmem:s24+$0x60]  }
0x15d: {  	s30 =	sadd.s32 $0x4, s30;
	s31 =	sadd.s32 $0x3, s26;
	v13 =	vadd.s32 v2, v4;
	v10 =	vld [tilespmem:s24+$0xFFFFFFA0];
	[tilespmem:v22+s29+$0x0] =	vst.idx.msk $0xffff, v19  }
0x15e: {  	_ =	sdelay $0x2  }
0x15f: {  	v19 =	vmov s31  }
0x160: {  	s30 =	sadd.s32 $0x1, s26;
	[tilespmem:v18+s29+$0x0] =	vst.idx.msk $0xffff, v17;
	v30 =	vld [tilespmem:s25+$0xFFFFFFB0];
	v6 =	vadd.s32 v3, v6;
	s25 =	sadd.s32 $0x100, s24;
	v21 =	vmov s26;
	v31 =	vand.u32 $0x7F, v19  }
0x161: {  	s31 =	sadd.s32 $0x2, s26;
	v32 =	vmov s30;
	[tilespmem:v16+s29+$0x0] =	vst.idx.msk $0xffff, v14;
	v33 =	vld [tilespmem:s25+$0x40];
	v21 =	vand.u32 $0x7C, v21;
	v34 =	vadd.s32 v0, v31  }
0x162: {  	v20 =	vmov s31;
	v22 =	vld [tilespmem:s25+$0xFFFFFF80];
	v19 =	vand.u32 $0x7D, v32;
	[tilespmem:v15+s29+$0x0] =	vst.idx.msk $0xffff, v11;
	v39 =	vadd.s32 v0, v21  }
0x163: {  	v35 =	vld [tilespmem:s25+$0xFFFFFFC0];
	v20 =	vand.u32 $0x7E, v20;
	v36 =	vadd.s32 v0, v19;
	[tilespmem:v12+s29+$0x0] =	vst.idx.msk $0xffff, v9  }
0x164: {  	v37 =	vld [tilespmem:s25+$0x0];
	v38 =	vadd.s32 v0, v20;
	[tilespmem:v13+s29+$0x0] =	vst.idx.msk $0xffff, v10  }
0x165: {  	v41 =	vadd.s32 v2, v7;
	v40 =	vld [tilespmem:s24+$0xFFFFFFE0];
	[tilespmem:v6+s29+$0x0] =	vst.idx.msk $0xffff, v30  }
0x166: {  	v49 =	vadd.s32 v2, v5;
	v48 =	vld [tilespmem:s24+$0x20];
	[tilespmem:v34+s29+$0x0] =	vst.idx.msk $0xffff, v33  }
0x167: {  	v43 =	vadd.s32 v1, v31;
	[tilespmem:v39+s29+$0x0] =	vst.idx.msk $0xffff, v22;
	v14 =	vld [tilespmem:s25+$0x50]  }
0x168: {  	v47 =	vadd.s32 v1, v21;
	[tilespmem:v36+s29+$0x0] =	vst.idx.msk $0xffff, v35;
	v46 =	vld [tilespmem:s25+$0xFFFFFF90]  }
0x169: {  	v44 =	vadd.s32 v1, v19;
	[tilespmem:v38+s29+$0x0] =	vst.idx.msk $0xffff, v37;
	v11 =	vld [tilespmem:s25+$0xFFFFFFD0]  }
0x16a: {  	v45 =	vadd.s32 v1, v20;
	[tilespmem:v41+s29+$0x0] =	vst.idx.msk $0xffff, v40;
	v9 =	vld [tilespmem:s25+$0x10]  }
0x16b: {  	v8 =	vadd.s32 v3, v8;
	v42 =	vld [tilespmem:s24+$0x70];
	[tilespmem:v49+s29+$0x0] =	vst.idx.msk $0xffff, v48  }
0x16c: {  	v5 =	vadd.s32 v3, v5;
	v13 =	vld [tilespmem:s24+$0x30];
	[tilespmem:v43+s29+$0x0] =	vst.idx.msk $0xffff, v14  }
0x16d: {  	v52 =	vadd.s32 v2, v31;
	[tilespmem:v47+s29+$0x0] =	vst.idx.msk $0xffff, v46;
	v14 =	vld [tilespmem:s25+$0x60]  }
0x16e: {  	v57 =	vadd.s32 v2, v21;
	[tilespmem:v44+s29+$0x0] =	vst.idx.msk $0xffff, v11;
	v56 =	vld [tilespmem:s25+$0xFFFFFFA0]  }
0x16f: {  	v53 =	vadd.s32 v2, v19;
	[tilespmem:v45+s29+$0x0] =	vst.idx.msk $0xffff, v9;
	v11 =	vld [tilespmem:s25+$0xFFFFFFE0]  }
0x170: {  	v55 =	vadd.s32 v2, v20;
	[tilespmem:v8+s29+$0x0] =	vst.idx.msk $0xffff, v42;
	v54 =	vld [tilespmem:s25+$0x20]  }
0x171: {  	v4 =	vadd.s32 v3, v4;
	v58 =	vld [tilespmem:s24+$0xFFFFFFB0];
	[tilespmem:v5+s29+$0x0] =	vst.idx.msk $0xffff, v13  }
0x172: {  	v51 =	vadd.s32 v3, v7;
	v50 =	vld [tilespmem:s24+$0xFFFFFFF0];
	[tilespmem:v52+s29+$0x0] =	vst.idx.msk $0xffff, v14  }
0x173: {  	v60 =	vadd.s32 v3, v31;
	[tilespmem:v57+s29+$0x0] =	vst.idx.msk $0xffff, v56;
	v59 =	vld [tilespmem:s25+$0x70]  }
0x174: {  	v63 =	vadd.s32 v3, v21;
	[tilespmem:v53+s29+$0x0] =	vst.idx.msk $0xffff, v11;
	v5 =	vld [tilespmem:s25+$0xFFFFFFB0]  }
0x175: {  	v61 =	vadd.s32 v3, v19;
	[tilespmem:v55+s29+$0x0] =	vst.idx.msk $0xffff, v54;
	v11 =	vld [tilespmem:s25+$0xFFFFFFF0]  }
0x176: {  	v62 =	vadd.s32 v3, v20;
	[tilespmem:v4+s29+$0x0] =	vst.idx.msk $0xffff, v58;
	v6 =	vld [tilespmem:s25+$0x30]  }
0x177: {  	[tilespmem:v51+s29+$0x0] =	vst.idx.msk $0xffff, v50  }
0x178: {  	[tilespmem:v60+s29+$0x0] =	vst.idx.msk $0xffff, v59  }
0x179: {  	[tilespmem:v63+s29+$0x0] =	vst.idx.msk $0xffff, v5  }
0x17a: {  	s23 =	sadd.s32 @!p1 $0x180, s23;
	s22 =	sadd.s32 s22, s5;
	[tilespmem:v61+s29+$0x0] =	vst.idx.msk $0xffff, v11  }
0x17b: {  	s22 =	sadd.s32 $0x1, s22;
	s24 =	simm.s32 @!p1 $0x80;
	s25 =	simm.s32 @!p1 $0x8400;
	[tilespmem:v62+s29+$0x0] =	vst.idx.msk $0xffff, v6  }
0x17c: {  	[tilespmem:s25], [sflag:$0x2] =	stream.indirect.gather @!p1 [hbm4b:s4+s24], $0x40, s23, s24, $0xb8;
	[tilespmem:$0xE800] =	vst v63  }
0x17d: {  	s25 =	sshrl.u32 s22, $0x5  }
0x17e: {  	s22 =	sshll.u32 s22, $0xA;
	s26 =	sshll.u32 s25, $0xF  }
0x17f: {  	s23 =	sshll.u32 s25, $0x12;
	s22 =	ssub.s32 s22, s26  }
0x180: {  	s22 =	sadd.s32 s23, s22  }
0x181: {  	s23 =	sshrl.u32 s22, $0x3  }
0x182: {  	s23 =	sadd.s32 s2, s23  }
0x183: {  	[hbm4b:s23+s3] =	stream.linear.scatter [tilespmem:s29], [sflag:$0x4], $0x80, $0x38;
	[tilespmem:$0xE800] =	vst v63  }
0x184: {  	s31 =	simm.s32 $0xC688;
	s30 =	sadd.s32 $0x10, s23  }
0x185: {  	[hbm4b:s30+s3] =	stream.linear.scatter [tilespmem:s31], [sflag:$0x4], $0x80, $0x38;
	[tilespmem:$0xE800] =	vst v63  }
0x186: {  	s26 =	simm.s32 $0xC710;
	s25 =	sadd.s32 $0x20, s23  }
0x187: {  	[hbm4b:s25+s3] =	stream.linear.scatter [tilespmem:s26], [sflag:$0x4], $0x80, $0x38;
	[tilespmem:$0xE800] =	vst v63  }
0x188: {  	s30 =	sadd.s32 $0x30, s23;
	s31 =	simm.s32 $0xC798  }
0x189: {  	[hbm4b:s30+s3] =	stream.linear.scatter [tilespmem:s31], [sflag:$0x4], $0x80, $0x38;
	[tilespmem:$0xE800] =	vst v63  }
0x18a: {  	s25 =	sadd.s32 $0x40, s23;
	s26 =	simm.s32 $0xC820  }
0x18b: {  	[hbm4b:s25+s3] =	stream.linear.scatter [tilespmem:s26], [sflag:$0x4], $0x80, $0x38;
	[tilespmem:$0xE800] =	vst v63  }
0x18c: {  	s30 =	sadd.s32 $0x50, s23;
	s31 =	simm.s32 $0xC8A8  }
0x18d: {  	[hbm4b:s30+s3] =	stream.linear.scatter [tilespmem:s31], [sflag:$0x4], $0x80, $0x38;
	[tilespmem:$0xE800] =	vst v63  }
0x18e: {  	s26 =	sadd.s32 $0x60, s23;
	s30 =	simm.s32 $0xC930  }
0x18f: {  	[hbm4b:s26+s3] =	stream.linear.scatter [tilespmem:s30], [sflag:$0x4], $0x80, $0x38;
	[tilespmem:$0xE800] =	vst v63  }
0x190: {  	s23 =	sadd.s32 $0x70, s23;
	s25 =	sadd.s32 $0x8000, s22;
	s31 =	simm.s32 $0xC9B8  }
0x191: {  	[hbm4b:s23+s3] =	stream.linear.scatter [tilespmem:s31], [sflag:$0x4], $0x80, $0x38;
	[tilespmem:$0xE800] =	vst v63  }
0x192: {  	s23 =	sshrl.u32 s25, $0x3  }
0x193: {  	s26 =	simm.s32 $0xCA40;
	s23 =	sadd.s32 s2, s23  }
0x194: {  	[hbm4b:s23+s3] =	stream.linear.scatter [tilespmem:s26], [sflag:$0x4], $0x80, $0x38;
	[tilespmem:$0xE800] =	vst v63  }
0x195: {  	s31 =	simm.s32 $0xCAC8;
	s30 =	sadd.s32 $0x10, s23  }
0x196: {  	[hbm4b:s30+s3] =	stream.linear.scatter [tilespmem:s31], [sflag:$0x4], $0x80, $0x38;
	[tilespmem:$0xE800] =	vst v63  }
0x197: {  	s25 =	sadd.s32 $0x20, s23;
	s26 =	simm.s32 $0xCB50  }
0x198: {  	[hbm4b:s25+s3] =	stream.linear.scatter [tilespmem:s26], [sflag:$0x4], $0x80, $0x38;
	[tilespmem:$0xE800] =	vst v63  }
0x199: {  	s30 =	sadd.s32 $0x30, s23;
	s31 =	simm.s32 $0xCBD8  }
0x19a: {  	[hbm4b:s30+s3] =	stream.linear.scatter [tilespmem:s31], [sflag:$0x4], $0x80, $0x38;
	[tilespmem:$0xE800] =	vst v63  }
0x19b: {  	s25 =	sadd.s32 $0x40, s23;
	s26 =	simm.s32 $0xCC60  }
0x19c: {  	[hbm4b:s25+s3] =	stream.linear.scatter [tilespmem:s26], [sflag:$0x4], $0x80, $0x38;
	[tilespmem:$0xE800] =	vst v63  }
0x19d: {  	s30 =	sadd.s32 $0x50, s23;
	s31 =	simm.s32 $0xCCE8  }
0x19e: {  	[hbm4b:s30+s3] =	stream.linear.scatter [tilespmem:s31], [sflag:$0x4], $0x80, $0x38;
	[tilespmem:$0xE800] =	vst v63  }
0x19f: {  	s26 =	sadd.s32 $0x60, s23;
	s30 =	simm.s32 $0xCD70  }
0x1a0: {  	[hbm4b:s26+s3] =	stream.linear.scatter [tilespmem:s30], [sflag:$0x4], $0x80, $0x38;
	[tilespmem:$0xE800] =	vst v63  }
0x1a1: {  	s23 =	sadd.s32 $0x70, s23;
	s25 =	sadd.s32 $0x10000, s22;
	s31 =	simm.s32 $0xCDF8  }
0x1a2: {  	[hbm4b:s23+s3] =	stream.linear.scatter [tilespmem:s31], [sflag:$0x4], $0x80, $0x38;
	[tilespmem:$0xE800] =	vst v63  }
0x1a3: {  	s23 =	sshrl.u32 s25, $0x3  }
0x1a4: {  	s26 =	simm.s32 $0xCE80;
	s23 =	sadd.s32 s2, s23  }
0x1a5: {  	[hbm4b:s23+s3] =	stream.linear.scatter [tilespmem:s26], [sflag:$0x4], $0x80, $0x38;
	[tilespmem:$0xE800] =	vst v63  }
0x1a6: {  	s31 =	simm.s32 $0xCF08;
	s30 =	sadd.s32 $0x10, s23  }
0x1a7: {  	[hbm4b:s30+s3] =	stream.linear.scatter [tilespmem:s31], [sflag:$0x4], $0x80, $0x38;
	[tilespmem:$0xE800] =	vst v63  }
0x1a8: {  	s25 =	sadd.s32 $0x20, s23;
	s26 =	simm.s32 $0xCF90  }
0x1a9: {  	[hbm4b:s25+s3] =	stream.linear.scatter [tilespmem:s26], [sflag:$0x4], $0x80, $0x38;
	[tilespmem:$0xE800] =	vst v63  }
0x1aa: {  	s30 =	sadd.s32 $0x30, s23;
	s31 =	simm.s32 $0xD018  }
0x1ab: {  	[hbm4b:s30+s3] =	stream.linear.scatter [tilespmem:s31], [sflag:$0x4], $0x80, $0x38;
	[tilespmem:$0xE800] =	vst v63  }
0x1ac: {  	s25 =	sadd.s32 $0x40, s23;
	s26 =	simm.s32 $0xD0A0  }
0x1ad: {  	[hbm4b:s25+s3] =	stream.linear.scatter [tilespmem:s26], [sflag:$0x4], $0x80, $0x38;
	[tilespmem:$0xE800] =	vst v63  }
0x1ae: {  	s30 =	sadd.s32 $0x50, s23;
	s31 =	simm.s32 $0xD128  }
0x1af: {  	[hbm4b:s30+s3] =	stream.linear.scatter [tilespmem:s31], [sflag:$0x4], $0x80, $0x38;
	[tilespmem:$0xE800] =	vst v63  }
0x1b0: {  	s26 =	sadd.s32 $0x60, s23;
	s30 =	simm.s32 $0xD1B0  }
0x1b1: {  	[hbm4b:s26+s3] =	stream.linear.scatter [tilespmem:s30], [sflag:$0x4], $0x80, $0x38;
	[tilespmem:$0xE800] =	vst v63  }
0x1b2: {  	s23 =	sadd.s32 $0x70, s23;
	s25 =	sadd.s32 $0x18000, s22;
	s31 =	simm.s32 $0xD238  }
0x1b3: {  	[hbm4b:s23+s3] =	stream.linear.scatter [tilespmem:s31], [sflag:$0x4], $0x80, $0x38;
	[tilespmem:$0xE800] =	vst v63  }
0x1b4: {  	s23 =	sshrl.u32 s25, $0x3  }
0x1b5: {  	s26 =	simm.s32 $0xD2C0;
	s23 =	sadd.s32 s2, s23  }
0x1b6: {  	[hbm4b:s23+s3] =	stream.linear.scatter [tilespmem:s26], [sflag:$0x4], $0x80, $0x38;
	[tilespmem:$0xE800] =	vst v63  }
0x1b7: {  	s31 =	simm.s32 $0xD348;
	s30 =	sadd.s32 $0x10, s23  }
0x1b8: {  	[hbm4b:s30+s3] =	stream.linear.scatter [tilespmem:s31], [sflag:$0x4], $0x80, $0x38;
	[tilespmem:$0xE800] =	vst v63  }
0x1b9: {  	s25 =	sadd.s32 $0x20, s23;
	s26 =	simm.s32 $0xD3D0  }
0x1ba: {  	[hbm4b:s25+s3] =	stream.linear.scatter [tilespmem:s26], [sflag:$0x4], $0x80, $0x38;
	[tilespmem:$0xE800] =	vst v63  }
0x1bb: {  	s30 =	sadd.s32 $0x30, s23;
	s31 =	simm.s32 $0xD458  }
0x1bc: {  	[hbm4b:s30+s3] =	stream.linear.scatter [tilespmem:s31], [sflag:$0x4], $0x80, $0x38;
	[tilespmem:$0xE800] =	vst v63  }
0x1bd: {  	s25 =	sadd.s32 $0x40, s23;
	s26 =	simm.s32 $0xD4E0  }
0x1be: {  	[hbm4b:s25+s3] =	stream.linear.scatter [tilespmem:s26], [sflag:$0x4], $0x80, $0x38;
	[tilespmem:$0xE800] =	vst v63  }
0x1bf: {  	s30 =	sadd.s32 $0x50, s23;
	s31 =	simm.s32 $0xD568  }
0x1c0: {  	[hbm4b:s30+s3] =	stream.linear.scatter [tilespmem:s31], [sflag:$0x4], $0x80, $0x38;
	[tilespmem:$0xE800] =	vst v63  }
0x1c1: {  	s26 =	sadd.s32 $0x60, s23;
	s30 =	simm.s32 $0xD5F0  }
0x1c2: {  	[hbm4b:s26+s3] =	stream.linear.scatter [tilespmem:s30], [sflag:$0x4], $0x80, $0x38;
	[tilespmem:$0xE800] =	vst v63  }
0x1c3: {  	s23 =	sadd.s32 $0x70, s23;
	s25 =	sadd.s32 $0x20000, s22;
	s31 =	simm.s32 $0xD678  }
0x1c4: {  	[hbm4b:s23+s3] =	stream.linear.scatter [tilespmem:s31], [sflag:$0x4], $0x80, $0x38;
	[tilespmem:$0xE800] =	vst v63  }
0x1c5: {  	s23 =	sshrl.u32 s25, $0x3  }
0x1c6: {  	s26 =	simm.s32 $0xD700;
	s23 =	sadd.s32 s2, s23  }
0x1c7: {  	[hbm4b:s23+s3] =	stream.linear.scatter [tilespmem:s26], [sflag:$0x4], $0x80, $0x38;
	[tilespmem:$0xE800] =	vst v63  }
0x1c8: {  	s31 =	simm.s32 $0xD788;
	s30 =	sadd.s32 $0x10, s23  }
0x1c9: {  	[hbm4b:s30+s3] =	stream.linear.scatter [tilespmem:s31], [sflag:$0x4], $0x80, $0x38;
	[tilespmem:$0xE800] =	vst v63  }
0x1ca: {  	s25 =	sadd.s32 $0x20, s23;
	s26 =	simm.s32 $0xD810  }
0x1cb: {  	[hbm4b:s25+s3] =	stream.linear.scatter [tilespmem:s26], [sflag:$0x4], $0x80, $0x38;
	[tilespmem:$0xE800] =	vst v63  }
0x1cc: {  	s30 =	sadd.s32 $0x30, s23;
	s31 =	simm.s32 $0xD898  }
0x1cd: {  	[hbm4b:s30+s3] =	stream.linear.scatter [tilespmem:s31], [sflag:$0x4], $0x80, $0x38;
	[tilespmem:$0xE800] =	vst v63  }
0x1ce: {  	s25 =	sadd.s32 $0x40, s23;
	s26 =	simm.s32 $0xD920  }
0x1cf: {  	[hbm4b:s25+s3] =	stream.linear.scatter [tilespmem:s26], [sflag:$0x4], $0x80, $0x38;
	[tilespmem:$0xE800] =	vst v63  }
0x1d0: {  	s30 =	sadd.s32 $0x50, s23;
	s31 =	simm.s32 $0xD9A8  }
0x1d1: {  	[hbm4b:s30+s3] =	stream.linear.scatter [tilespmem:s31], [sflag:$0x4], $0x80, $0x38;
	[tilespmem:$0xE800] =	vst v63  }
0x1d2: {  	s26 =	sadd.s32 $0x60, s23;
	s30 =	simm.s32 $0xDA30  }
0x1d3: {  	[hbm4b:s26+s3] =	stream.linear.scatter [tilespmem:s30], [sflag:$0x4], $0x80, $0x38;
	[tilespmem:$0xE800] =	vst v63  }
0x1d4: {  	s23 =	sadd.s32 $0x70, s23;
	s25 =	sadd.s32 $0x28000, s22;
	s31 =	simm.s32 $0xDAB8  }
0x1d5: {  	[hbm4b:s23+s3] =	stream.linear.scatter [tilespmem:s31], [sflag:$0x4], $0x80, $0x38;
	[tilespmem:$0xE800] =	vst v63  }
0x1d6: {  	s23 =	sshrl.u32 s25, $0x3  }
0x1d7: {  	s26 =	simm.s32 $0xDB40;
	s23 =	sadd.s32 s2, s23  }
0x1d8: {  	[hbm4b:s23+s3] =	stream.linear.scatter [tilespmem:s26], [sflag:$0x4], $0x80, $0x38;
	[tilespmem:$0xE800] =	vst v63  }
0x1d9: {  	s31 =	simm.s32 $0xDBC8;
	s30 =	sadd.s32 $0x10, s23  }
0x1da: {  	[hbm4b:s30+s3] =	stream.linear.scatter [tilespmem:s31], [sflag:$0x4], $0x80, $0x38;
	[tilespmem:$0xE800] =	vst v63  }
0x1db: {  	s25 =	sadd.s32 $0x20, s23;
	s26 =	simm.s32 $0xDC50  }
0x1dc: {  	[hbm4b:s25+s3] =	stream.linear.scatter [tilespmem:s26], [sflag:$0x4], $0x80, $0x38;
	[tilespmem:$0xE800] =	vst v63  }
0x1dd: {  	s30 =	sadd.s32 $0x30, s23;
	s31 =	simm.s32 $0xDCD8  }
0x1de: {  	[hbm4b:s30+s3] =	stream.linear.scatter [tilespmem:s31], [sflag:$0x4], $0x80, $0x38;
	[tilespmem:$0xE800] =	vst v63  }
0x1df: {  	s25 =	sadd.s32 $0x40, s23;
	s26 =	simm.s32 $0xDD60  }
0x1e0: {  	[hbm4b:s25+s3] =	stream.linear.scatter [tilespmem:s26], [sflag:$0x4], $0x80, $0x38;
	[tilespmem:$0xE800] =	vst v63  }
0x1e1: {  	s30 =	sadd.s32 $0x50, s23;
	s31 =	simm.s32 $0xDDE8  }
0x1e2: {  	[hbm4b:s30+s3] =	stream.linear.scatter [tilespmem:s31], [sflag:$0x4], $0x80, $0x38;
	[tilespmem:$0xE800] =	vst v63  }
0x1e3: {  	s26 =	sadd.s32 $0x60, s23;
	s30 =	simm.s32 $0xDE70  }
0x1e4: {  	[hbm4b:s26+s3] =	stream.linear.scatter [tilespmem:s30], [sflag:$0x4], $0x80, $0x38;
	[tilespmem:$0xE800] =	vst v63  }
0x1e5: {  	s24 =	sadd.s32 $0x30000, s22;
	s23 =	sadd.s32 $0x70, s23;
	s31 =	simm.s32 $0xDEF8  }
0x1e6: {  	[hbm4b:s23+s3] =	stream.linear.scatter [tilespmem:s31], [sflag:$0x4], $0x80, $0x38;
	[tilespmem:$0xE800] =	vst v63  }
0x1e7: {  	s23 =	sshrl.u32 s24, $0x3  }
0x1e8: {  	s25 =	simm.s32 $0xDF80;
	s23 =	sadd.s32 s2, s23  }
0x1e9: {  	[hbm4b:s23+s3] =	stream.linear.scatter [tilespmem:s25], [sflag:$0x4], $0x80, $0x38;
	[tilespmem:$0xE800] =	vst v63  }
0x1ea: {  	s26 =	sadd.s32 $0x10, s23  }
0x1eb: {  	[hbm4b:s26+s3] =	stream.linear.scatter [tilespmem:s1], [sflag:$0x4], $0x80, $0x38;
	[tilespmem:$0xE800] =	vst v63  }
0x1ec: {  	s30 =	sadd.s32 $0x20, s23  }
0x1ed: {  	[hbm4b:s30+s3] =	stream.linear.scatter [tilespmem:s0], [sflag:$0x4], $0x80, $0x38;
	[tilespmem:$0xE800] =	vst v63  }
0x1ee: {  	s31 =	sadd.s32 $0x30, s23  }
0x1ef: {  	[hbm4b:s31+s3] =	stream.linear.scatter [tilespmem:s10], [sflag:$0x4], $0x80, $0x38;
	[tilespmem:$0xE800] =	vst v63  }
0x1f0: {  	s25 =	sadd.s32 $0x40, s23  }
0x1f1: {  	[hbm4b:s25+s3] =	stream.linear.scatter [tilespmem:s11], [sflag:$0x4], $0x80, $0x38;
	[tilespmem:$0xE800] =	vst v63  }
0x1f2: {  	s26 =	sadd.s32 $0x50, s23  }
0x1f3: {  	[hbm4b:s26+s3] =	stream.linear.scatter [tilespmem:s9], [sflag:$0x4], $0x80, $0x38;
	[tilespmem:$0xE800] =	vst v63  }
0x1f4: {  	s22 =	sadd.s32 $0x38000, s22;
	s30 =	sadd.s32 $0x60, s23  }
0x1f5: {  	[hbm4b:s30+s3] =	stream.linear.scatter [tilespmem:s6], [sflag:$0x4], $0x80, $0x38;
	[tilespmem:$0xE800] =	vst v63  }
0x1f6: {  	s22 =	sshrl.u32 s22, $0x3;
	s23 =	sadd.s32 $0x70, s23  }
0x1f7: {  	[hbm4b:s23+s3] =	stream.linear.scatter [tilespmem:s7], [sflag:$0x4], $0x80, $0x38;
	[tilespmem:$0xE800] =	vst v63  }
0x1f8: {  	s22 =	sadd.s32 s2, s22  }
0x1f9: {  	[hbm4b:s22+s3] =	stream.linear.scatter [tilespmem:s8], [sflag:$0x4], $0x80, $0x38;
	[tilespmem:$0xE800] =	vst v63  }
0x1fa: {  	s31 =	sadd.s32 $0x10, s22  }
0x1fb: {  	[hbm4b:s31+s3] =	stream.linear.scatter [tilespmem:s14], [sflag:$0x4], $0x80, $0x38;
	[tilespmem:$0xE800] =	vst v63  }
0x1fc: {  	s24 =	sadd.s32 $0x20, s22  }
0x1fd: {  	[hbm4b:s24+s3] =	stream.linear.scatter [tilespmem:s15], [sflag:$0x4], $0x80, $0x38;
	[tilespmem:$0xE800] =	vst v63  }
0x1fe: {  	s25 =	sadd.s32 $0x30, s22  }
0x1ff: {  	[hbm4b:s25+s3] =	stream.linear.scatter [tilespmem:s16], [sflag:$0x4], $0x80, $0x38;
	[tilespmem:$0xE800] =	vst v63  }
0x200: {  	s21 =	sadd.s32 $0x1, s21;
	s26 =	sadd.s32 $0x40, s22  }
0x201: {  	[hbm4b:s26+s3] =	stream.linear.scatter [tilespmem:s17], [sflag:$0x4], $0x80, $0x38;
	[tilespmem:$0xE800] =	vst v63  }
0x202: {  	p0 =	sne.s32 s21, $0x64;
	s30 =	sadd.s32 $0x50, s22  }
0x203: {  	[hbm4b:s30+s3] =	stream.linear.scatter [tilespmem:s18], [sflag:$0x4], $0x80, $0x38;
	[tilespmem:$0xE800] =	vst v63  }
.Ltmp2:
0x204: {  	_ = 	snop;
	(pc) =	sbr.rel @p0 .LBB2_2-.Ltmp2, $4  }
0x205: {  	s31 =	sadd.s32 $0x60, s22  }
0x206: {  	[hbm4b:s31+s3] =	stream.linear.scatter [tilespmem:s19], [sflag:$0x4], $0x80, $0x38;
	[tilespmem:$0xE800] =	vst v63  }
0x207: {  	s22 =	sadd.s32 $0x70, s22  }
0x208: {  	[hbm4b:s22+s3] =	stream.linear.scatter [tilespmem:s20], [sflag:$0x4], $0x80, $0x38;
	[tilespmem:$0xE800] =	vst v63  }
0x209: {  	s21 =	simm.s32 $0x3  }
0x20a: {  	_ =	swait.ge [sflag:s21], $0x400  }
0x20b: {  	[sflag:s21] =	ssyncset.done $0x0  }
0x20c: {  	[sflag:s21] =	ssyncadd.s32 $0xFFFFFC00  }
0x20d: {  	_ =	swait.ge [sflag:s21], $0x400  }
0x20e: {  	[sflag:s21] =	ssyncset.done $0x0  }
0x20f: {  	[sflag:s21] =	ssyncadd.s32 $0xFFFFFC00  }
0x210: {  	_ =	swait.ge [sflag:s21], $0x400  }
0x211: {  	[sflag:s21] =	ssyncset.done $0x0  }
0x212: {  	[sflag:s21] =	ssyncadd.s32 $0xFFFFFC00  }
0x213: {  	_ =	swait.ge [sflag:s21], $0x400  }
0x214: {  	[sflag:s21] =	ssyncset.done $0x0  }
0x215: {  	[sflag:s21] =	ssyncadd.s32 $0xFFFFFC00  }
0x216: {  	_ =	swait.ge [sflag:s21], $0x400  }
0x217: {  	[sflag:s21] =	ssyncset.done $0x0  }
0x218: {  	[sflag:s21] =	ssyncadd.s32 $0xFFFFFC00  }
0x219: {  	_ =	swait.ge [sflag:s21], $0x400  }
0x21a: {  	[sflag:s21] =	ssyncset.done $0x0  }
0x21b: {  	[sflag:s21] =	ssyncadd.s32 $0xFFFFFC00  }
0x21c: {  	_ =	swait.ge [sflag:s21], $0x400  }
0x21d: {  	[sflag:s21] =	ssyncset.done $0x0  }
0x21e: {  	[sflag:s21] =	ssyncadd.s32 $0xFFFFFC00  }
0x21f: {  	_ =	swait.ge [sflag:s21], $0x400  }
0x220: {  	[sflag:s21] =	ssyncset.done $0x0  }
0x221: {  	s22 =	simm.s32 $0x4;
	[sflag:s21] =	ssyncadd.s32 $0xFFFFFC00  }
0x222: {  	_ =	swait.ge [sflag:s22], $0x400  }
0x223: {  	[sflag:s22] =	ssyncset.done $0x0  }
0x224: {  	[sflag:s22] =	ssyncadd.s32 $0xFFFFFC00  }
0x225: {  	_ =	swait.ge [sflag:s22], $0x400  }
0x226: {  	[sflag:s22] =	ssyncset.done $0x0  }
0x227: {  	[sflag:s22] =	ssyncadd.s32 $0xFFFFFC00  }
0x228: {  	_ =	swait.ge [sflag:s22], $0x400  }
0x229: {  	[sflag:s22] =	ssyncset.done $0x0  }
0x22a: {  	[sflag:s22] =	ssyncadd.s32 $0xFFFFFC00  }
0x22b: {  	_ =	swait.ge [sflag:s22], $0x400  }
0x22c: {  	[sflag:s22] =	ssyncset.done $0x0  }
0x22d: {  	[sflag:s22] =	ssyncadd.s32 $0xFFFFFC00  }
0x22e: {  	_ =	swait.ge [sflag:s22], $0x400  }
0x22f: {  	[sflag:s22] =	ssyncset.done $0x0  }
0x230: {  	[sflag:s22] =	ssyncadd.s32 $0xFFFFFC00  }
0x231: {  	_ =	swait.ge [sflag:s22], $0x400  }
0x232: {  	[sflag:s22] =	ssyncset.done $0x0  }
0x233: {  	[sflag:s22] =	ssyncadd.s32 $0xFFFFFC00  }
0x234: {  	_ =	swait.ge [sflag:s22], $0x400  }
0x235: {  	[sflag:s22] =	ssyncset.done $0x0  }
0x236: {  	[sflag:s22] =	ssyncadd.s32 $0xFFFFFC00  }
0x237: {  	_ =	swait.ge [sflag:s22], $0x400  }
0x238: {  	s23 =	rddreg [dreg:$0x5]  }
0x239: {  	s31 =	rddreg [dreg:$0x4];
	s23 =	sadd.s32 $0x1, s23  }
0x23a: {  	p0 =	sne.s32 s23, s31  }
.Ltmp3:
0x23b: {  	_ = 	snop;
	(pc) =	sbr.rel @p0 .LBB2_1-.Ltmp3, $3  }
0x23c: {  	_ =	sdelay $0x1  }
0x23d: {  	[sflag:s22] =	ssyncset.done $0x0  }
0x23e: {  	[sflag:s22] =	ssyncadd.s32 $0xFFFFFC00  }
0x23f: {  	_ =	sfence.sel $0x180000  }
0x240: {  	[bflag:$0x0] =	sbarrier.arrive $0xFFFF  }
0x241: {  	_ =	strace $0x90000047  }
0x242: {  	s0 =	stileid.u32;
	[bflag:$0x2] =	sbarrier.arrive $0xFFFF  }
0x243: {  	p0 =	sne.s32 s0, $0x0;
	s0 =	rddreg [dreg:$0x2]  }
0x244: {  	s0 =	sadd.s32 @!p0 $0x100000, s0  }
0x245: {  	[sflag:s0] =	ssyncadd.tile.s32 @!p0 $0x1;
	_ =	shalt  }
.Lfunc_end2:
_tile_overlayer_lowered:
.L_overlay_start_2:
0x246: {  	(tag) =	ssettag $0x2  }
0x247: {  	s0 =	rddreg [dreg:$0x0];
	s2 =	stileid.u32  }
0x248: {  	s1 =	rddreg [dreg:$0x1];
	p0 =	sne.s32 s2, $0x0  }
0x249: {  	s3 =	rddreg [dreg:$0x2];
	[bflag:$0x3] =	sbarrier.arrive $0xFFFF;
	s2 =	simm.s32 @!p0 $0x1C05  }
0x24a: {  	[timem:s3], [sflag:s2] =	dma.local @!p0 [hbm:s0], s1  }
0x24b: {  	s0 =	simm.s32 @!p0 $0x5  }
0x24c: {  	_ =	swait.ge @!p0 [sflag:s0], s1  }
0x24d: {  	s1 =	ssub.s32 @!p0 $0x0, s1;
	[sflag:s0] =	ssyncset.done @!p0 $0x0  }
0x24e: {  	[sflag:s0] =	ssyncadd.s32 @!p0 s1  }
0x24f: {  	[bflag:$0x3] =	sbarrier.arrive $0xFFFF  }
0x250: {  	_ =	shalt  }

</sc_bundles>
